<compile_context>
chip_gen: v7x
topology: tpu7x:2x2x1
jax: 0.10.2.dev20260603
libtpu: 0.0.44.dev20260713+nightly
codegen_flags: <defaults>
</compile_context>

<pallas_src>
import jax
import jax.numpy as jnp
from jax import lax
from jax.experimental import pallas as pl
from jax.experimental.pallas import tpu as pltpu
from jax.experimental.pallas import tpu_sc as plsc

N = 10000
E = 320000
D = 128
G = 16

NC, NS, LANES = 2, 16, 16
NW = NC * NS
ET = E // NW
K = 80
CH = ET // K
NP = 10112
ROWS = NP // NS
DH = D // 2


def _deg_body(dst_hbm, out_hbm, idx_d, ones_b, zbuf, acc, sem):
    c = lax.axis_index("c")
    s = lax.axis_index("s")
    wid = s * NC + c

    def zinit(i, _):
        zbuf[i, :] = jnp.zeros((LANES,), jnp.float32)
        return 0
    lax.fori_loop(0, ROWS, zinit, 0)

    def oinit(i, _):
        ones_b[i, :] = jnp.ones((LANES,), jnp.float32)
        return 0
    lax.fori_loop(0, K, oinit, 0)

    pltpu.sync_copy(zbuf, acc.at[pl.ds(s * ROWS, ROWS)])
    plsc.subcore_barrier()

    def step(ci, _):
        b = wid * ET + ci * K
        pltpu.sync_copy(dst_hbm.at[pl.ds(b, K)], idx_d)
        pltpu.sync_copy(ones_b, acc.at[idx_d], add=True)
        return 0
    lax.fori_loop(0, CH, step, 0)

    plsc.subcore_barrier()
    pltpu.sync_copy(acc.at[pl.ds(s * ROWS, ROWS)],
                    out_hbm.at[pl.ds(c * NP + s * ROWS, ROWS)])


_deg_call = pl.kernel(
    _deg_body,
    out_type=jax.ShapeDtypeStruct((NC * NP, LANES), jnp.float32),
    mesh=plsc.VectorSubcoreMesh(core_axis_name="c", subcore_axis_name="s"),
    compiler_params=pltpu.CompilerParams(use_tc_tiling_on_sc=False),
    scratch_types=[
        pltpu.VMEM((K,), jnp.int32),
        pltpu.VMEM((K, LANES), jnp.float32),
        pltpu.VMEM((ROWS, LANES), jnp.float32),
        pltpu.VMEM_SHARED((NP, LANES), jnp.float32),
        pltpu.SemaphoreType.DMA,
    ],
)


def _agg_body(vals_hbm, src_hbm, dst_hbm, out_hbm,
              idx_s, idx_d, rows, zbuf, acc, sem):
    c = lax.axis_index("c")
    s = lax.axis_index("s")
    wid = s * NC + c

    def zinit(i, _):
        r = i // (DH // LANES)
        q = i % (DH // LANES)
        zbuf[r, pl.ds(q * LANES, LANES)] = jnp.zeros((LANES,), jnp.float32)
        return 0
    lax.fori_loop(0, ROWS * (DH // LANES), zinit, 0)

    for h in (0, 1):
        pltpu.sync_copy(zbuf, acc.at[pl.ds(s * ROWS, ROWS)])
        plsc.subcore_barrier()

        def step(ci, _):
            b = wid * ET + ci * K
            pltpu.sync_copy(src_hbm.at[pl.ds(b, K)], idx_s)
            for j in range(K // LANES):
                v = idx_s[pl.ds(j * LANES, LANES)]
                idx_s[pl.ds(j * LANES, LANES)] = v * 2 + h
            pltpu.async_copy(vals_hbm.at[idx_s], rows, sem).wait()
            pltpu.sync_copy(dst_hbm.at[pl.ds(b, K)], idx_d)
            pltpu.sync_copy(rows, acc.at[idx_d], add=True)
            return 0
        lax.fori_loop(0, CH, step, 0)

        plsc.subcore_barrier()
        pltpu.sync_copy(acc.at[pl.ds(s * ROWS, ROWS)],
                        out_hbm.at[h, pl.ds(c * NP + s * ROWS, ROWS)])
        plsc.subcore_barrier()


_agg_call = pl.kernel(
    _agg_body,
    out_type=jax.ShapeDtypeStruct((2, NC * NP, DH), jnp.float32),
    mesh=plsc.VectorSubcoreMesh(core_axis_name="c", subcore_axis_name="s"),
    compiler_params=pltpu.CompilerParams(use_tc_tiling_on_sc=False),
    scratch_types=[
        pltpu.VMEM((K,), jnp.int32),
        pltpu.VMEM((K,), jnp.int32),
        pltpu.VMEM((K, DH), jnp.float32),
        pltpu.VMEM((ROWS, DH), jnp.float32),
        pltpu.VMEM_SHARED((NP, DH), jnp.float32),
        pltpu.SemaphoreType.DMA,
    ],
)


def _agg(vals, src, dst):
    vals2 = vals.reshape(2 * N, DH)
    return _agg_call(vals2, src, dst).reshape(2, NC, NP, DH)


def _sum_parts(p_ref):
    lo = p_ref[0, 0] + p_ref[0, 1]
    hi = p_ref[1, 0] + p_ref[1, 1]
    return jnp.concatenate([lo, hi], axis=1)


R = 1000


def _tc_scale_body(degp_ref, x_ref, xs_ref, dinv_ref):
    deg = degp_ref[0] + degp_ref[1] + 1.0
    dinv = lax.rsqrt(jnp.maximum(deg, 1.0))
    d2 = dinv[:, 0:1]
    xs_ref[...] = x_ref[...] * d2
    dinv_ref[...] = d2


def _tc_scale(degp, x):
    grid = N // R
    return pl.pallas_call(
        _tc_scale_body,
        grid=(grid,),
        in_specs=[
            pl.BlockSpec((2, R, LANES), lambda i: (0, i, 0)),
            pl.BlockSpec((R, D), lambda i: (i, 0)),
        ],
        out_specs=[
            pl.BlockSpec((R, D), lambda i: (i, 0)),
            pl.BlockSpec((R, 1), lambda i: (i, 0)),
        ],
        out_shape=[
            jax.ShapeDtypeStruct((N, D), jnp.float32),
            jax.ShapeDtypeStruct((N, 1), jnp.float32),
        ],
    )(degp, x)


def _tc_layer1_body(pa_ref, xs_ref, dinv_ref, W1_ref, b1_ref, W2_ref, ms_ref):
    t = (_sum_parts(pa_ref) + xs_ref[...]) * dinv_ref[...]
    h = jnp.dot(t, W1_ref[...], preferred_element_type=jnp.float32)
    h = jnp.maximum(h + b1_ref[...], 0.0)
    m = jnp.dot(h, W2_ref[...], preferred_element_type=jnp.float32)
    ms_ref[...] = m * dinv_ref[...]


def _tc_layer1(pa, xs, dinv, W1, b1, W2):
    grid = N // R
    hid = W1.shape[1]
    return pl.pallas_call(
        _tc_layer1_body,
        grid=(grid,),
        in_specs=[
            pl.BlockSpec((2, NC, R, DH), lambda i: (0, 0, i, 0)),
            pl.BlockSpec((R, D), lambda i: (i, 0)),
            pl.BlockSpec((R, 1), lambda i: (i, 0)),
            pl.BlockSpec((D, hid), lambda i: (0, 0)),
            pl.BlockSpec((1, hid), lambda i: (0, 0)),
            pl.BlockSpec((hid, D), lambda i: (0, 0)),
        ],
        out_specs=pl.BlockSpec((R, D), lambda i: (i, 0)),
        out_shape=jax.ShapeDtypeStruct((N, D), jnp.float32),
    )(pa, xs, dinv, W1, b1, W2)


def _tc_final_body(pb_ref, ms_ref, dinv_ref, batch_ref, b2_ref,
                   W3_ref, b3_ref, W4_ref, b4_ref,
                   xh_ref, z_ref, gemb_ref, pooled, counts):
    i = pl.program_id(0)
    z = (_sum_parts(pb_ref) + ms_ref[...]) * dinv_ref[...] + b2_ref[...]
    z_ref[...] = z
    d = jnp.dot(z, W3_ref[...], preferred_element_type=jnp.float32)
    d = jnp.maximum(d + b3_ref[...], 0.0)
    xh_ref[...] = jnp.dot(d, W4_ref[...],
                          preferred_element_type=jnp.float32) + b4_ref[...]

    gids = lax.broadcasted_iota(jnp.int32, (R, G), 1)
    oh = (batch_ref[...] == gids).astype(jnp.float32)

    @pl.when(i == 0)
    def _():
        pooled[...] = jnp.zeros_like(pooled)
        counts[...] = jnp.zeros_like(counts)

    dn = (((0,), (0,)), ((), ()))
    pooled[...] += lax.dot_general(oh, z, dn,
                                   preferred_element_type=jnp.float32)
    counts[...] += lax.dot_general(oh, jnp.ones((R, D), jnp.float32), dn,
                                   preferred_element_type=jnp.float32)
    gemb_ref[...] = pooled[...] / jnp.maximum(counts[...], 1.0)


def _tc_final(pb, ms, dinv, batch2, b2, W3, b3, W4, b4):
    grid = N // R
    hid = W3.shape[1]
    return pl.pallas_call(
        _tc_final_body,
        grid=(grid,),
        in_specs=[
            pl.BlockSpec((2, NC, R, DH), lambda i: (0, 0, i, 0)),
            pl.BlockSpec((R, D), lambda i: (i, 0)),
            pl.BlockSpec((R, 1), lambda i: (i, 0)),
            pl.BlockSpec((R, 1), lambda i: (i, 0)),
            pl.BlockSpec((1, D), lambda i: (0, 0)),
            pl.BlockSpec((D, hid), lambda i: (0, 0)),
            pl.BlockSpec((1, hid), lambda i: (0, 0)),
            pl.BlockSpec((hid, D), lambda i: (0, 0)),
            pl.BlockSpec((1, D), lambda i: (0, 0)),
        ],
        out_specs=[
            pl.BlockSpec((R, D), lambda i: (i, 0)),
            pl.BlockSpec((R, D), lambda i: (i, 0)),
            pl.BlockSpec((G, D), lambda i: (0, 0)),
        ],
        out_shape=[
            jax.ShapeDtypeStruct((N, D), jnp.float32),
            jax.ShapeDtypeStruct((N, D), jnp.float32),
            jax.ShapeDtypeStruct((G, D), jnp.float32),
        ],
        scratch_shapes=[
            pltpu.VMEM((G, D), jnp.float32),
            pltpu.VMEM((G, D), jnp.float32),
        ],
    )(pb, ms, dinv, batch2, b2, W3, b3, W4, b4)


def kernel(x, edge_index, batch, W1, b1, W2, b2, W3, b3, W4, b4):
    src = edge_index[0]
    dst = edge_index[1]
    batch2 = batch[:, None]

    degp = _deg_call(dst).reshape(2, NP, LANES)
    xs, dinv = _tc_scale(degp, x)

    def body(i, carry):
        _, v, _ = carry
        p = _agg(v, src, dst)
        v_new = _tc_layer1(p, v, dinv, W1, b1[None, :], W2)
        return (v, v_new, p)

    p0 = jnp.zeros((2, NC, NP, DH), jnp.float32)
    niter = 2 + (src[0] < -1).astype(jnp.int32)
    ms, _, pb = lax.fori_loop(0, niter, body, (xs, xs, p0))

    x_hat, z, gemb = _tc_final(pb, ms, dinv, batch2, b2[None, :],
                               W3, b3[None, :], W4, b4[None, :])
    return (x_hat, z, gemb)

# --- scband reference (transcript-rebuilt; emitter-appended) ---
"""Pipeline reference for scband-gaewith-pooling-22874995818802 (READ-ONLY COPY).

The authoritative reference and input builder live on the scoring server;
editing this copy changes nothing except your own understanding.
"""

import jax, jax.numpy as jnp
import numpy as np

N = 10000
E = 320000
D_IN = 128
HID = 256
LAT = 128
OUT = 128
G = 16


def setup_inputs(seed: int = 0) -> dict:
    key = jax.random.key(seed)
    ks = jax.random.split(key, 12)
    x = jax.random.normal(ks[0], (N, D_IN), dtype=jnp.float32)
    edge_index = jax.random.randint(ks[1], (2, E), 0, N, dtype=jnp.int32)
    batch = jnp.sort(jax.random.randint(ks[2], (N,), 0, G, dtype=jnp.int32))
    # GCNConv weights (glorot-ish scale) and biases
    W1 = jax.random.normal(ks[3], (D_IN, HID), dtype=jnp.float32) * (1.0 / np.sqrt(D_IN))
    b1 = jnp.zeros((HID,), dtype=jnp.float32)
    W2 = jax.random.normal(ks[4], (HID, LAT), dtype=jnp.float32) * (1.0 / np.sqrt(HID))
    b2 = jnp.zeros((LAT,), dtype=jnp.float32)
    # MLP decoder weights
    W3 = jax.random.normal(ks[5], (LAT, HID), dtype=jnp.float32) * (1.0 / np.sqrt(LAT))
    b3 = jnp.zeros((HID,), dtype=jnp.float32)
    W4 = jax.random.normal(ks[6], (HID, OUT), dtype=jnp.float32) * (1.0 / np.sqrt(HID))
    b4 = jnp.zeros((OUT,), dtype=jnp.float32)
    return {"x": x, "edge_index": edge_index, "batch": batch,
            "W1": W1, "b1": b1, "W2": W2, "b2": b2,
            "W3": W3, "b3": b3, "W4": W4, "b4": b4}


def _gcn_conv(x, edge_index, W, b):
    # PyG GCNConv: add self-loops, symmetric normalization D^-1/2 A D^-1/2
    src = edge_index[0]
    dst = edge_index[1]
    loop = jnp.arange(N, dtype=src.dtype)
    src = jnp.concatenate([src, loop])
    dst = jnp.concatenate([dst, loop])
    deg = jnp.zeros((N,), dtype=x.dtype).at[dst].add(1.0)
    dinv = jax.lax.rsqrt(jnp.maximum(deg, 1.0))
    norm = dinv[src] * dinv[dst]
    h = x @ W
    msg = jnp.take(h, src, axis=0) * norm[:, None]
    out = jnp.zeros((N, W.shape[1]), dtype=x.dtype).at[dst].add(msg)
    return out + b


def _global_mean_pool(z, batch):
    sums = jax.ops.segment_sum(z, batch, num_segments=G)
    cnts = jax.ops.segment_sum(jnp.ones((N,), dtype=z.dtype), batch, num_segments=G)
    return sums / jnp.maximum(cnts, 1.0)[:, None]


def reference(x, edge_index, batch, W1, b1, W2, b2, W3, b3, W4, b4):
    # encoder
    h = _gcn_conv(x, edge_index, W1, b1)
    h = jax.nn.relu(h)
    z = _gcn_conv(h, edge_index, W2, b2)
    # pooling
    graph_embedding = _global_mean_pool(z, batch)
    # decoder MLP
    d = jax.nn.relu(z @ W3 + b3)
    x_hat = d @ W4 + b4
    return (x_hat, z, graph_embedding)

if __name__ == "__main__":
    import jax
    _d = setup_inputs()
    print(jax.jit(kernel)(*tuple(_d.values())))

</pallas_src>

<mosaic_0001>
#map = affine_map<(d0, d1) -> (0)>
#map1 = affine_map<(d0, d1) -> (0, 0)>
module attributes {stable_mosaic.version = 14 : i64} {
  func.func @_deg_body(%arg0: i32, %arg1: i32, %arg2: memref<320000xi32, #tpu.memory_space<hbm>>, %arg3: memref<20224x16xf32, #tpu.memory_space<hbm>>, %arg4: memref<80xi32, #tpu.memory_space<vmem>>, %arg5: memref<80x16xf32, #tpu.memory_space<vmem>>, %arg6: memref<632x16xf32, #tpu.memory_space<vmem>>, %arg7: memref<10112x16xf32, #tpu.memory_space<vmem_shared>>, %arg8: memref<!tpu.dma_semaphore, #tpu.memory_space<semaphore_mem>>) attributes {dimension_semantics = [#tpu.dimension_semantics<core_parallel>, #tpu.dimension_semantics<subcore_parallel>], iteration_bounds = array<i64: 2, 16>, scalar_prefetch = 0 : i64, scratch_operands = 5 : i64, tpu.core_type = #tpu.core_type<sc_vector_subcore>, window_params = [{transform_indices = #map}, {transform_indices = #map1}]} {
    %mul3A = arith.constant 2 : i32
    %mul3A_0 = arith.muli %arg1, %mul3A : i32
    %add3A = arith.addi %mul3A_0, %arg0 : i32
    %scan3A = arith.constant 0 : i32
    %scan3A_1 = arith.constant 0 : i32
    %scan3A_2 = arith.constant 632 : i32
    %scan3A_3 = arith.addi %scan3A_1, %scan3A_2 : i32
    %scan3A_4 = arith.constant 1 : i32
    %scan3A_5 = scf.for %scan3A_31 = %scan3A_1 to %scan3A_3 step %scan3A_4 iter_args(%scan3A_32 = %scan3A) -> (i32)  : i32 {
      %broadcast_in_dim3A = arith.constant 0.000000e+00 : f32
      %broadcast_in_dim3A_33 = vector.broadcast %broadcast_in_dim3A : f32 to vector<16xf32>
      %swap3A = arith.index_cast %scan3A_31 : i32 to index
      %swap3A_34 = arith.constant 0 : index
      %swap3A_35 = tpu.vector_load %arg6[%swap3A, %swap3A_34] {strides = array<i32>} : memref<632x16xf32, #tpu.memory_space<vmem>>, vector<1x16xf32>,
      %swap3A_36 = vector.shape_cast %swap3A_35 : vector<1x16xf32> to vector<16xf32>
      %swap3A_37 = vector.shape_cast %broadcast_in_dim3A_33 : vector<16xf32> to vector<1x16xf32>
      tpu.vector_store %arg6[%swap3A, %swap3A_34], %swap3A_37 {strides = array<i32>} : memref<632x16xf32, #tpu.memory_space<vmem>>, vector<1x16xf32>,
      %scan3A_38 = arith.constant 0 : i32
      scf.yield %scan3A_38 : i32
    }
    %scan3A_6 = arith.constant 632 : i32
    %scan3A_7 = arith.constant 0 : i32
    %scan3A_8 = arith.constant 0 : i32
    %scan3A_9 = arith.constant 80 : i32
    %scan3A_10 = arith.addi %scan3A_8, %scan3A_9 : i32
    %scan3A_11 = arith.constant 1 : i32
    %scan3A_12 = scf.for %scan3A_31 = %scan3A_8 to %scan3A_10 step %scan3A_11 iter_args(%scan3A_32 = %scan3A_7) -> (i32)  : i32 {
      %broadcast_in_dim3A = arith.constant 1.000000e+00 : f32
      %broadcast_in_dim3A_33 = vector.broadcast %broadcast_in_dim3A : f32 to vector<16xf32>
      %swap3A = arith.index_cast %scan3A_31 : i32 to index
      %swap3A_34 = arith.constant 0 : index
      %swap3A_35 = tpu.vector_load %arg5[%swap3A, %swap3A_34] {strides = array<i32>} : memref<80x16xf32, #tpu.memory_space<vmem>>, vector<1x16xf32>,
      %swap3A_36 = vector.shape_cast %swap3A_35 : vector<1x16xf32> to vector<16xf32>
      %swap3A_37 = vector.shape_cast %broadcast_in_dim3A_33 : vector<16xf32> to vector<1x16xf32>
      tpu.vector_store %arg5[%swap3A, %swap3A_34], %swap3A_37 {strides = array<i32>} : memref<80x16xf32, #tpu.memory_space<vmem>>, vector<1x16xf32>,
      %scan3A_38 = arith.constant 0 : i32
      scf.yield %scan3A_38 : i32
    }
    %scan3A_13 = arith.constant 80 : i32
    %mul3A_14 = arith.constant 632 : i32
    %mul3A_15 = arith.muli %arg1, %mul3A_14 : i32
    "tpu.region"() ({
      %run_scoped3A = tpu.sem_alloc : memref<!tpu.dma_semaphore, #tpu.memory_space<semaphore_mem>>
      %dma_start3A = arith.constant 0 : i32
      %dma_start3A_31 = tpu.memref_slice %arg7[%mul3A_15, %dma_start3A] : memref<10112x16xf32, #tpu.memory_space<vmem_shared>> -> memref<632x16xf32, #tpu.memory_space<vmem_shared>>
      %dma_start3A_32 = arith.constant 0 : i32
      %dma_start3A_33 = tpu.memref_slice %arg7[%mul3A_15, %dma_start3A_32] : memref<10112x16xf32, #tpu.memory_space<vmem_shared>> -> memref<632x16xf32, #tpu.memory_space<vmem_shared>>
      tpu.enqueue_dma source(%arg6 : memref<632x16xf32, #tpu.memory_space<vmem>>) target(%dma_start3A_33 : memref<632x16xf32, #tpu.memory_space<vmem_shared>>) target_semaphore(%run_scoped3A : memref<!tpu.dma_semaphore, #tpu.memory_space<semaphore_mem>>)
      %dma_wait3A = arith.constant 0 : i32
      %dma_wait3A_34 = tpu.memref_slice %arg7[%mul3A_15, %dma_wait3A] : memref<10112x16xf32, #tpu.memory_space<vmem_shared>> -> memref<632x16xf32, #tpu.memory_space<vmem_shared>>
      %dma_wait3A_35 = arith.constant 0 : i32
      %dma_wait3A_36 = tpu.memref_slice %arg7[%mul3A_15, %dma_wait3A_35] : memref<10112x16xf32, #tpu.memory_space<vmem_shared>> -> memref<632x16xf32, #tpu.memory_space<vmem_shared>>
      tpu.wait_dma2 semaphore(%run_scoped3A : memref<!tpu.dma_semaphore, #tpu.memory_space<semaphore_mem>>) src(%arg6 : memref<632x16xf32, #tpu.memory_space<vmem>>) dst(%dma_wait3A_36 : memref<632x16xf32, #tpu.memory_space<vmem_shared>>)
      tpu.yield
    }) : () -> ()
    %barrier3A = arith.constant 0 : index
    tpu.barrier barrier_id(%barrier3A)
    %scan3A_16 = arith.constant 0 : i32
    %scan3A_17 = arith.constant 0 : i32
    %scan3A_18 = arith.constant 125 : i32
    %scan3A_19 = arith.addi %scan3A_17, %scan3A_18 : i32
    %scan3A_20 = arith.constant 1 : i32
    %scan3A_21 = scf.for %scan3A_31 = %scan3A_17 to %scan3A_19 step %scan3A_20 iter_args(%scan3A_32 = %scan3A_16) -> (i32)  : i32 {
      %mul3A_33 = arith.constant 10000 : i32
      %mul3A_34 = arith.muli %add3A, %mul3A_33 : i32
      %mul3A_35 = arith.constant 80 : i32
      %mul3A_36 = arith.muli %scan3A_31, %mul3A_35 : i32
      %add3A_37 = arith.addi %mul3A_34, %mul3A_36 : i32
      "tpu.region"() ({
        %run_scoped3A = tpu.sem_alloc : memref<!tpu.dma_semaphore, #tpu.memory_space<semaphore_mem>>
        %dma_start3A = tpu.memref_slice %arg2[%add3A_37] : memref<320000xi32, #tpu.memory_space<hbm>> -> memref<80xi32, #tpu.memory_space<hbm>>
        %dma_start3A_39 = tpu.memref_slice %arg2[%add3A_37] : memref<320000xi32, #tpu.memory_space<hbm>> -> memref<80xi32, #tpu.memory_space<hbm>>
        tpu.enqueue_dma source(%dma_start3A_39 : memref<80xi32, #tpu.memory_space<hbm>>) target(%arg4 : memref<80xi32, #tpu.memory_space<vmem>>) target_semaphore(%run_scoped3A : memref<!tpu.dma_semaphore, #tpu.memory_space<semaphore_mem>>)
        %dma_wait3A = tpu.memref_slice %arg2[%add3A_37] : memref<320000xi32, #tpu.memory_space<hbm>> -> memref<80xi32, #tpu.memory_space<hbm>>
        %dma_wait3A_40 = tpu.memref_slice %arg2[%add3A_37] : memref<320000xi32, #tpu.memory_space<hbm>> -> memref<80xi32, #tpu.memory_space<hbm>>
        tpu.wait_dma2 semaphore(%run_scoped3A : memref<!tpu.dma_semaphore, #tpu.memory_space<semaphore_mem>>) src(%dma_wait3A_40 : memref<80xi32, #tpu.memory_space<hbm>>) dst(%arg4 : memref<80xi32, #tpu.memory_space<vmem>>)
        tpu.yield
      }) : () -> ()
      "tpu.region"() ({
        %run_scoped3A = tpu.sem_alloc : memref<!tpu.dma_semaphore, #tpu.memory_space<semaphore_mem>>
        %dma_start3A = arith.constant 0 : i32
        %dma_start3A_39 = arith.constant 0 : i32
        %dma_start3A_40 = tpu.memref_slice %arg7[%dma_start3A, %dma_start3A_39] : memref<10112x16xf32, #tpu.memory_space<vmem_shared>> -> memref<10112x16xf32, #tpu.memory_space<vmem_shared>>
        tpu.enqueue_indirect_dma source(%arg5 : memref<80x16xf32, #tpu.memory_space<vmem>>) target(%dma_start3A_40 : memref<10112x16xf32, #tpu.memory_space<vmem_shared>>) offsets(%arg4 : memref<80xi32, #tpu.memory_space<vmem>>) semaphore(%run_scoped3A : memref<!tpu.dma_semaphore, #tpu.memory_space<semaphore_mem>>) {add = true}
        %dma_wait3A = arith.constant 0 : i32
        %dma_wait3A_41 = arith.constant 0 : i32
        %dma_wait3A_42 = tpu.memref_slice %arg7[%dma_wait3A, %dma_wait3A_41] : memref<10112x16xf32, #tpu.memory_space<vmem_shared>> -> memref<10112x16xf32, #tpu.memory_space<vmem_shared>>
        tpu.wait_indirect_dma semaphore(%run_scoped3A : memref<!tpu.dma_semaphore, #tpu.memory_space<semaphore_mem>>) src(%arg5 : memref<80x16xf32, #tpu.memory_space<vmem>>) dst(%dma_wait3A_42 : memref<10112x16xf32, #tpu.memory_space<vmem_shared>>)
        tpu.yield
      }) : () -> ()
      %scan3A_38 = arith.constant 0 : i32
      scf.yield %scan3A_38 : i32
    }
    %scan3A_22 = arith.constant 125 : i32
    %barrier3A_23 = arith.constant 0 : index
    tpu.barrier barrier_id(%barrier3A_23)
    %mul3A_24 = arith.constant 632 : i32
    %mul3A_25 = arith.muli %arg1, %mul3A_24 : i32
    %mul3A_26 = arith.constant 10112 : i32
    %mul3A_27 = arith.muli %arg0, %mul3A_26 : i32
    %mul3A_28 = arith.constant 632 : i32
    %mul3A_29 = arith.muli %arg1, %mul3A_28 : i32
    %add3A_30 = arith.addi %mul3A_27, %mul3A_29 : i32
    "tpu.region"() ({
      %run_scoped3A = tpu.sem_alloc : memref<!tpu.dma_semaphore, #tpu.memory_space<semaphore_mem>>
      %dma_start3A = arith.constant 0 : i32
      %dma_start3A_31 = tpu.memref_slice %arg3[%add3A_30, %dma_start3A] : memref<20224x16xf32, #tpu.memory_space<hbm>> -> memref<632x16xf32, #tpu.memory_space<hbm>>
      %dma_start3A_32 = arith.constant 0 : i32
      %dma_start3A_33 = tpu.memref_slice %arg7[%mul3A_25, %dma_start3A_32] : memref<10112x16xf32, #tpu.memory_space<vmem_shared>> -> memref<632x16xf32, #tpu.memory_space<vmem_shared>>
      tpu.enqueue_dma source(%dma_start3A_33 : memref<632x16xf32, #tpu.memory_space<vmem_shared>>) target(%dma_start3A_31 : memref<632x16xf32, #tpu.memory_space<hbm>>) target_semaphore(%run_scoped3A : memref<!tpu.dma_semaphore, #tpu.memory_space<semaphore_mem>>)
      %dma_wait3A = arith.constant 0 : i32
      %dma_wait3A_34 = tpu.memref_slice %arg3[%add3A_30, %dma_wait3A] : memref<20224x16xf32, #tpu.memory_space<hbm>> -> memref<632x16xf32, #tpu.memory_space<hbm>>
      %dma_wait3A_35 = arith.constant 0 : i32
      %dma_wait3A_36 = tpu.memref_slice %arg7[%mul3A_25, %dma_wait3A_35] : memref<10112x16xf32, #tpu.memory_space<vmem_shared>> -> memref<632x16xf32, #tpu.memory_space<vmem_shared>>
      tpu.wait_dma2 semaphore(%run_scoped3A : memref<!tpu.dma_semaphore, #tpu.memory_space<semaphore_mem>>) src(%dma_wait3A_36 : memref<632x16xf32, #tpu.memory_space<vmem_shared>>) dst(%dma_wait3A_34 : memref<632x16xf32, #tpu.memory_space<hbm>>)
      tpu.yield
    }) : () -> ()
    return
  }
}

#map = affine_map<(d0, d1) -> (0, 0)>
#map1 = affine_map<(d0, d1) -> (0)>
#map2 = affine_map<(d0, d1) -> (0, 0, 0)>
module attributes {stable_mosaic.version = 14 : i64} {
  func.func @_agg_body(%arg0: i32, %arg1: i32, %arg2: memref<20000x64xf32, #tpu.memory_space<hbm>>, %arg3: memref<320000xi32, #tpu.memory_space<hbm>>, %arg4: memref<320000xi32, #tpu.memory_space<hbm>>, %arg5: memref<2x20224x64xf32, #tpu.memory_space<hbm>>, %arg6: memref<80xi32, #tpu.memory_space<vmem>>, %arg7: memref<80xi32, #tpu.memory_space<vmem>>, %arg8: memref<80x64xf32, #tpu.memory_space<vmem>>, %arg9: memref<632x64xf32, #tpu.memory_space<vmem>>, %arg10: memref<10112x64xf32, #tpu.memory_space<vmem_shared>>, %arg11: memref<!tpu.dma_semaphore, #tpu.memory_space<semaphore_mem>>) attributes {dimension_semantics = [#tpu.dimension_semantics<core_parallel>, #tpu.dimension_semantics<subcore_parallel>], iteration_bounds = array<i64: 2, 16>, scalar_prefetch = 0 : i64, scratch_operands = 6 : i64, tpu.core_type = #tpu.core_type<sc_vector_subcore>, window_params = [{transform_indices = #map}, {transform_indices = #map1}, {transform_indices = #map1}, {transform_indices = #map2}]} {
    %mul3A = arith.constant 2 : i32
    %mul3A_0 = arith.muli %arg1, %mul3A : i32
    %add3A = arith.addi %mul3A_0, %arg0 : i32
    %scan3A = arith.constant 0 : i32
    %scan3A_1 = arith.constant 0 : i32
    %scan3A_2 = arith.constant 2528 : i32
    %scan3A_3 = arith.addi %scan3A_1, %scan3A_2 : i32
    %scan3A_4 = arith.constant 1 : i32
    %scan3A_5 = scf.for %scan3A_45 = %scan3A_1 to %scan3A_3 step %scan3A_4 iter_args(%scan3A_46 = %scan3A) -> (i32)  : i32 {
      %jit3A = arith.constant 4 : i32
      %div3A = arith.divsi %scan3A_45, %jit3A : i32
      %sign3A = arith.constant 0 : i32
      %sign3A_47 = arith.cmpi sgt, %scan3A_45, %sign3A : i32
      %sign3A_48 = arith.extui %sign3A_47 : i1 to i32
      %sign3A_49 = arith.constant 0 : i32
      %sign3A_50 = arith.cmpi slt, %scan3A_45, %sign3A_49 : i32
      %sign3A_51 = arith.extui %sign3A_50 : i1 to i32
      %sign3A_52 = arith.subi %sign3A_48, %sign3A_51 : i32
      %sign3A_53 = arith.constant 0 : i32
      %sign3A_54 = arith.cmpi sgt, %jit3A, %sign3A_53 : i32
      %sign3A_55 = arith.extui %sign3A_54 : i1 to i32
      %sign3A_56 = arith.constant 0 : i32
      %sign3A_57 = arith.cmpi slt, %jit3A, %sign3A_56 : i32
      %sign3A_58 = arith.extui %sign3A_57 : i1 to i32
      %sign3A_59 = arith.subi %sign3A_55, %sign3A_58 : i32
      %ne3A = arith.cmpi ne, %sign3A_52, %sign3A_59 : i32
      %rem3A = arith.remsi %scan3A_45, %jit3A : i32
      %ne3A_60 = arith.constant 0 : i32
      %ne3A_61 = arith.cmpi ne, %rem3A, %ne3A_60 : i32
      %and3A = arith.andi %ne3A, %ne3A_61 : i1
      %sub3A = arith.constant 1 : i32
      %sub3A_62 = arith.subi %div3A, %sub3A : i32
      %select_n3A = arith.select %and3A, %sub3A_62, %div3A : i32
      %jit3A_63 = arith.constant 4 : i32
      %eq3A = arith.constant 0 : i32
      %eq3A_64 = arith.cmpi eq, %jit3A_63, %eq3A : i32
      %jit3A_65 = arith.constant 1 : i32
      %select_n3A_66 = arith.select %eq3A_64, %jit3A_65, %jit3A_63 : i32
      %rem3A_67 = arith.remsi %scan3A_45, %select_n3A_66 : i32
      %ne3A_68 = arith.constant 0 : i32
      %ne3A_69 = arith.cmpi ne, %rem3A_67, %ne3A_68 : i32
      %lt3A = arith.constant 0 : i32
      %lt3A_70 = arith.cmpi slt, %rem3A_67, %lt3A : i32
      %lt3A_71 = arith.constant 0 : i32
      %lt3A_72 = arith.cmpi slt, %select_n3A_66, %lt3A_71 : i32
      %ne3A_73 = arith.xori %lt3A_70, %lt3A_72 : i1
      %and3A_74 = arith.andi %ne3A_73, %ne3A_69 : i1
      %add3A_75 = arith.addi %rem3A_67, %select_n3A_66 : i32
      %select_n3A_76 = arith.select %and3A_74, %add3A_75, %rem3A_67 : i32
      %broadcast_in_dim3A = arith.constant 0.000000e+00 : f32
      %broadcast_in_dim3A_77 = vector.broadcast %broadcast_in_dim3A : f32 to vector<16xf32>
      %mul3A_78 = arith.constant 16 : i32
      %mul3A_79 = arith.muli %select_n3A_76, %mul3A_78 : i32
      %swap3A = arith.index_cast %select_n3A : i32 to index
      %swap3A_80 = arith.index_cast %mul3A_79 : i32 to index
      %swap3A_81 = tpu.vector_load %arg9[%swap3A, %swap3A_80] {strides = array<i32>} : memref<632x64xf32, #tpu.memory_space<vmem>>, vector<1x16xf32>,
      %swap3A_82 = vector.shape_cast %swap3A_81 : vector<1x16xf32> to vector<16xf32>
      %swap3A_83 = vector.shape_cast %broadcast_in_dim3A_77 : vector<16xf32> to vector<1x16xf32>
      tpu.vector_store %arg9[%swap3A, %swap3A_80], %swap3A_83 {strides = array<i32>} : memref<632x64xf32, #tpu.memory_space<vmem>>, vector<1x16xf32>,
      %scan3A_84 = arith.constant 0 : i32
      scf.yield %scan3A_84 : i32
    }
    %scan3A_6 = arith.constant 2528 : i32
    %mul3A_7 = arith.constant 632 : i32
    %mul3A_8 = arith.muli %arg1, %mul3A_7 : i32
    "tpu.region"() ({
      %run_scoped3A_45 = tpu.sem_alloc : memref<!tpu.dma_semaphore, #tpu.memory_space<semaphore_mem>>
      %dma_start3A = arith.constant 0 : i32
      %dma_start3A_46 = tpu.memref_slice %arg10[%mul3A_8, %dma_start3A] : memref<10112x64xf32, #tpu.memory_space<vmem_shared>> -> memref<632x64xf32, #tpu.memory_space<vmem_shared>>
      %dma_start3A_47 = arith.constant 0 : i32
      %dma_start3A_48 = tpu.memref_slice %arg10[%mul3A_8, %dma_start3A_47] : memref<10112x64xf32, #tpu.memory_space<vmem_shared>> -> memref<632x64xf32, #tpu.memory_space<vmem_shared>>
      tpu.enqueue_dma source(%arg9 : memref<632x64xf32, #tpu.memory_space<vmem>>) target(%dma_start3A_48 : memref<632x64xf32, #tpu.memory_space<vmem_shared>>) target_semaphore(%run_scoped3A_45 : memref<!tpu.dma_semaphore, #tpu.memory_space<semaphore_mem>>)
      %dma_wait3A = arith.constant 0 : i32
      %dma_wait3A_49 = tpu.memref_slice %arg10[%mul3A_8, %dma_wait3A] : memref<10112x64xf32, #tpu.memory_space<vmem_shared>> -> memref<632x64xf32, #tpu.memory_space<vmem_shared>>
      %dma_wait3A_50 = arith.constant 0 : i32
      %dma_wait3A_51 = tpu.memref_slice %arg10[%mul3A_8, %dma_wait3A_50] : memref<10112x64xf32, #tpu.memory_space<vmem_shared>> -> memref<632x64xf32, #tpu.memory_space<vmem_shared>>
      tpu.wait_dma2 semaphore(%run_scoped3A_45 : memref<!tpu.dma_semaphore, #tpu.memory_space<semaphore_mem>>) src(%arg9 : memref<632x64xf32, #tpu.memory_space<vmem>>) dst(%dma_wait3A_51 : memref<632x64xf32, #tpu.memory_space<vmem_shared>>)
      tpu.yield
    }) : () -> ()
    %barrier3A = arith.constant 0 : index
    tpu.barrier barrier_id(%barrier3A)
    %scan3A_9 = arith.constant 0 : i32
    %scan3A_10 = arith.constant 0 : i32
    %scan3A_11 = arith.constant 125 : i32
    %scan3A_12 = arith.addi %scan3A_10, %scan3A_11 : i32
    %scan3A_13 = arith.constant 1 : i32
    %scan3A_14 = scf.for %scan3A_45 = %scan3A_10 to %scan3A_12 step %scan3A_13 iter_args(%scan3A_46 = %scan3A_9) -> (i32)  : i32 {
      %mul3A_47 = arith.constant 10000 : i32
      %mul3A_48 = arith.muli %add3A, %mul3A_47 : i32
      %mul3A_49 = arith.constant 80 : i32
      %mul3A_50 = arith.muli %scan3A_45, %mul3A_49 : i32
      %add3A_51 = arith.addi %mul3A_48, %mul3A_50 : i32
      "tpu.region"() ({
        %run_scoped3A_120 = tpu.sem_alloc : memref<!tpu.dma_semaphore, #tpu.memory_space<semaphore_mem>>
        %dma_start3A_121 = tpu.memref_slice %arg3[%add3A_51] : memref<320000xi32, #tpu.memory_space<hbm>> -> memref<80xi32, #tpu.memory_space<hbm>>
        %dma_start3A_122 = tpu.memref_slice %arg3[%add3A_51] : memref<320000xi32, #tpu.memory_space<hbm>> -> memref<80xi32, #tpu.memory_space<hbm>>
        tpu.enqueue_dma source(%dma_start3A_122 : memref<80xi32, #tpu.memory_space<hbm>>) target(%arg6 : memref<80xi32, #tpu.memory_space<vmem>>) target_semaphore(%run_scoped3A_120 : memref<!tpu.dma_semaphore, #tpu.memory_space<semaphore_mem>>)
        %dma_wait3A_123 = tpu.memref_slice %arg3[%add3A_51] : memref<320000xi32, #tpu.memory_space<hbm>> -> memref<80xi32, #tpu.memory_space<hbm>>
        %dma_wait3A_124 = tpu.memref_slice %arg3[%add3A_51] : memref<320000xi32, #tpu.memory_space<hbm>> -> memref<80xi32, #tpu.memory_space<hbm>>
        tpu.wait_dma2 semaphore(%run_scoped3A_120 : memref<!tpu.dma_semaphore, #tpu.memory_space<semaphore_mem>>) src(%dma_wait3A_124 : memref<80xi32, #tpu.memory_space<hbm>>) dst(%arg6 : memref<80xi32, #tpu.memory_space<vmem>>)
        tpu.yield
      }) : () -> ()
      %get3A = arith.constant 0 : index
      %get3A_52 = tpu.vector_load %arg6[%get3A] {strides = array<i32>} : memref<80xi32, #tpu.memory_space<vmem>>, vector<16xi32>,
      %get3A_53 = vector.shape_cast %get3A_52 : vector<16xi32> to vector<16xi32>
      %mul3A_54 = arith.constant 2 : i32
      %mul3A_55 = vector.broadcast %mul3A_54 : i32 to vector<16xi32>
      %mul3A_56 = arith.muli %get3A_53, %mul3A_55 : vector<16xi32>
      %add3A_57 = arith.constant 0 : i32
      %add3A_58 = vector.broadcast %add3A_57 : i32 to vector<16xi32>
      %add3A_59 = arith.addi %mul3A_56, %add3A_58 : vector<16xi32>
      %swap3A = arith.constant 0 : index
      %swap3A_60 = tpu.vector_load %arg6[%swap3A] {strides = array<i32>} : memref<80xi32, #tpu.memory_space<vmem>>, vector<16xi32>,
      %swap3A_61 = vector.shape_cast %swap3A_60 : vector<16xi32> to vector<16xi32>
      %swap3A_62 = vector.shape_cast %add3A_59 : vector<16xi32> to vector<16xi32>
      tpu.vector_store %arg6[%swap3A], %swap3A_62 {strides = array<i32>} : memref<80xi32, #tpu.memory_space<vmem>>, vector<16xi32>,
      %get3A_63 = arith.constant 16 : index
      %get3A_64 = tpu.vector_load %arg6[%get3A_63] {strides = array<i32>} : memref<80xi32, #tpu.memory_space<vmem>>, vector<16xi32>,
      %get3A_65 = vector.shape_cast %get3A_64 : vector<16xi32> to vector<16xi32>
      %mul3A_66 = arith.constant 2 : i32
      %mul3A_67 = vector.broadcast %mul3A_66 : i32 to vector<16xi32>
      %mul3A_68 = arith.muli %get3A_65, %mul3A_67 : vector<16xi32>
      %add3A_69 = arith.constant 0 : i32
      %add3A_70 = vector.broadcast %add3A_69 : i32 to vector<16xi32>
      %add3A_71 = arith.addi %mul3A_68, %add3A_70 : vector<16xi32>
      %swap3A_72 = arith.constant 16 : index
      %swap3A_73 = tpu.vector_load %arg6[%swap3A_72] {strides = array<i32>} : memref<80xi32, #tpu.memory_space<vmem>>, vector<16xi32>,
      %swap3A_74 = vector.shape_cast %swap3A_73 : vector<16xi32> to vector<16xi32>
      %swap3A_75 = vector.shape_cast %add3A_71 : vector<16xi32> to vector<16xi32>
      tpu.vector_store %arg6[%swap3A_72], %swap3A_75 {strides = array<i32>} : memref<80xi32, #tpu.memory_space<vmem>>, vector<16xi32>,
      %get3A_76 = arith.constant 32 : index
      %get3A_77 = tpu.vector_load %arg6[%get3A_76] {strides = array<i32>} : memref<80xi32, #tpu.memory_space<vmem>>, vector<16xi32>,
      %get3A_78 = vector.shape_cast %get3A_77 : vector<16xi32> to vector<16xi32>
      %mul3A_79 = arith.constant 2 : i32
      %mul3A_80 = vector.broadcast %mul3A_79 : i32 to vector<16xi32>
      %mul3A_81 = arith.muli %get3A_78, %mul3A_80 : vector<16xi32>
      %add3A_82 = arith.constant 0 : i32
      %add3A_83 = vector.broadcast %add3A_82 : i32 to vector<16xi32>
      %add3A_84 = arith.addi %mul3A_81, %add3A_83 : vector<16xi32>
      %swap3A_85 = arith.constant 32 : index
      %swap3A_86 = tpu.vector_load %arg6[%swap3A_85] {strides = array<i32>} : memref<80xi32, #tpu.memory_space<vmem>>, vector<16xi32>,
      %swap3A_87 = vector.shape_cast %swap3A_86 : vector<16xi32> to vector<16xi32>
      %swap3A_88 = vector.shape_cast %add3A_84 : vector<16xi32> to vector<16xi32>
      tpu.vector_store %arg6[%swap3A_85], %swap3A_88 {strides = array<i32>} : memref<80xi32, #tpu.memory_space<vmem>>, vector<16xi32>,
      %get3A_89 = arith.constant 48 : index
      %get3A_90 = tpu.vector_load %arg6[%get3A_89] {strides = array<i32>} : memref<80xi32, #tpu.memory_space<vmem>>, vector<16xi32>,
      %get3A_91 = vector.shape_cast %get3A_90 : vector<16xi32> to vector<16xi32>
      %mul3A_92 = arith.constant 2 : i32
      %mul3A_93 = vector.broadcast %mul3A_92 : i32 to vector<16xi32>
      %mul3A_94 = arith.muli %get3A_91, %mul3A_93 : vector<16xi32>
      %add3A_95 = arith.constant 0 : i32
      %add3A_96 = vector.broadcast %add3A_95 : i32 to vector<16xi32>
      %add3A_97 = arith.addi %mul3A_94, %add3A_96 : vector<16xi32>
      %swap3A_98 = arith.constant 48 : index
      %swap3A_99 = tpu.vector_load %arg6[%swap3A_98] {strides = array<i32>} : memref<80xi32, #tpu.memory_space<vmem>>, vector<16xi32>,
      %swap3A_100 = vector.shape_cast %swap3A_99 : vector<16xi32> to vector<16xi32>
      %swap3A_101 = vector.shape_cast %add3A_97 : vector<16xi32> to vector<16xi32>
      tpu.vector_store %arg6[%swap3A_98], %swap3A_101 {strides = array<i32>} : memref<80xi32, #tpu.memory_space<vmem>>, vector<16xi32>,
      %get3A_102 = arith.constant 64 : index
      %get3A_103 = tpu.vector_load %arg6[%get3A_102] {strides = array<i32>} : memref<80xi32, #tpu.memory_space<vmem>>, vector<16xi32>,
      %get3A_104 = vector.shape_cast %get3A_103 : vector<16xi32> to vector<16xi32>
      %mul3A_105 = arith.constant 2 : i32
      %mul3A_106 = vector.broadcast %mul3A_105 : i32 to vector<16xi32>
      %mul3A_107 = arith.muli %get3A_104, %mul3A_106 : vector<16xi32>
      %add3A_108 = arith.constant 0 : i32
      %add3A_109 = vector.broadcast %add3A_108 : i32 to vector<16xi32>
      %add3A_110 = arith.addi %mul3A_107, %add3A_109 : vector<16xi32>
      %swap3A_111 = arith.constant 64 : index
      %swap3A_112 = tpu.vector_load %arg6[%swap3A_111] {strides = array<i32>} : memref<80xi32, #tpu.memory_space<vmem>>, vector<16xi32>,
      %swap3A_113 = vector.shape_cast %swap3A_112 : vector<16xi32> to vector<16xi32>
      %swap3A_114 = vector.shape_cast %add3A_110 : vector<16xi32> to vector<16xi32>
      tpu.vector_store %arg6[%swap3A_111], %swap3A_114 {strides = array<i32>} : memref<80xi32, #tpu.memory_space<vmem>>, vector<16xi32>,
      %dma_start3A = arith.constant 0 : i32
      %dma_start3A_115 = arith.constant 0 : i32
      %dma_start3A_116 = tpu.memref_slice %arg2[%dma_start3A, %dma_start3A_115] : memref<20000x64xf32, #tpu.memory_space<hbm>> -> memref<20000x64xf32, #tpu.memory_space<hbm>>
      tpu.enqueue_indirect_dma source(%dma_start3A_116 : memref<20000x64xf32, #tpu.memory_space<hbm>>) target(%arg8 : memref<80x64xf32, #tpu.memory_space<vmem>>) offsets(%arg6 : memref<80xi32, #tpu.memory_space<vmem>>) semaphore(%arg11 : memref<!tpu.dma_semaphore, #tpu.memory_space<semaphore_mem>>)
      %dma_wait3A = arith.constant 0 : i32
      %dma_wait3A_117 = arith.constant 0 : i32
      %dma_wait3A_118 = tpu.memref_slice %arg2[%dma_wait3A, %dma_wait3A_117] : memref<20000x64xf32, #tpu.memory_space<hbm>> -> memref<20000x64xf32, #tpu.memory_space<hbm>>
      tpu.wait_indirect_dma semaphore(%arg11 : memref<!tpu.dma_semaphore, #tpu.memory_space<semaphore_mem>>) src(%dma_wait3A_118 : memref<20000x64xf32, #tpu.memory_space<hbm>>) dst(%arg8 : memref<80x64xf32, #tpu.memory_space<vmem>>)
      "tpu.region"() ({
        %run_scoped3A_120 = tpu.sem_alloc : memref<!tpu.dma_semaphore, #tpu.memory_space<semaphore_mem>>
        %dma_start3A_121 = tpu.memref_slice %arg4[%add3A_51] : memref<320000xi32, #tpu.memory_space<hbm>> -> memref<80xi32, #tpu.memory_space<hbm>>
        %dma_start3A_122 = tpu.memref_slice %arg4[%add3A_51] : memref<320000xi32, #tpu.memory_space<hbm>> -> memref<80xi32, #tpu.memory_space<hbm>>
        tpu.enqueue_dma source(%dma_start3A_122 : memref<80xi32, #tpu.memory_space<hbm>>) target(%arg7 : memref<80xi32, #tpu.memory_space<vmem>>) target_semaphore(%run_scoped3A_120 : memref<!tpu.dma_semaphore, #tpu.memory_space<semaphore_mem>>)
        %dma_wait3A_123 = tpu.memref_slice %arg4[%add3A_51] : memref<320000xi32, #tpu.memory_space<hbm>> -> memref<80xi32, #tpu.memory_space<hbm>>
        %dma_wait3A_124 = tpu.memref_slice %arg4[%add3A_51] : memref<320000xi32, #tpu.memory_space<hbm>> -> memref<80xi32, #tpu.memory_space<hbm>>
        tpu.wait_dma2 semaphore(%run_scoped3A_120 : memref<!tpu.dma_semaphore, #tpu.memory_space<semaphore_mem>>) src(%dma_wait3A_124 : memref<80xi32, #tpu.memory_space<hbm>>) dst(%arg7 : memref<80xi32, #tpu.memory_space<vmem>>)
        tpu.yield
      }) : () -> ()
      "tpu.region"() ({
        %run_scoped3A_120 = tpu.sem_alloc : memref<!tpu.dma_semaphore, #tpu.memory_space<semaphore_mem>>
        %dma_start3A_121 = arith.constant 0 : i32
        %dma_start3A_122 = arith.constant 0 : i32
        %dma_start3A_123 = tpu.memref_slice %arg10[%dma_start3A_121, %dma_start3A_122] : memref<10112x64xf32, #tpu.memory_space<vmem_shared>> -> memref<10112x64xf32, #tpu.memory_space<vmem_shared>>
        tpu.enqueue_indirect_dma source(%arg8 : memref<80x64xf32, #tpu.memory_space<vmem>>) target(%dma_start3A_123 : memref<10112x64xf32, #tpu.memory_space<vmem_shared>>) offsets(%arg7 : memref<80xi32, #tpu.memory_space<vmem>>) semaphore(%run_scoped3A_120 : memref<!tpu.dma_semaphore, #tpu.memory_space<semaphore_mem>>) {add = true}
        %dma_wait3A_124 = arith.constant 0 : i32
        %dma_wait3A_125 = arith.constant 0 : i32
        %dma_wait3A_126 = tpu.memref_slice %arg10[%dma_wait3A_124, %dma_wait3A_125] : memref<10112x64xf32, #tpu.memory_space<vmem_shared>> -> memref<10112x64xf32, #tpu.memory_space<vmem_shared>>
        tpu.wait_indirect_dma semaphore(%run_scoped3A_120 : memref<!tpu.dma_semaphore, #tpu.memory_space<semaphore_mem>>) src(%arg8 : memref<80x64xf32, #tpu.memory_space<vmem>>) dst(%dma_wait3A_126 : memref<10112x64xf32, #tpu.memory_space<vmem_shared>>)
        tpu.yield
      }) : () -> ()
      %scan3A_119 = arith.constant 0 : i32
      scf.yield %scan3A_119 : i32
    }
    %scan3A_15 = arith.constant 125 : i32
    %barrier3A_16 = arith.constant 0 : index
    tpu.barrier barrier_id(%barrier3A_16)
    %mul3A_17 = arith.constant 632 : i32
    %mul3A_18 = arith.muli %arg1, %mul3A_17 : i32
    %mul3A_19 = arith.constant 10112 : i32
    %mul3A_20 = arith.muli %arg0, %mul3A_19 : i32
    %mul3A_21 = arith.constant 632 : i32
    %mul3A_22 = arith.muli %arg1, %mul3A_21 : i32
    %add3A_23 = arith.addi %mul3A_20, %mul3A_22 : i32
    %run_scoped3A = arith.constant 0 : i32
    "tpu.region"() ({
      %run_scoped3A_45 = tpu.sem_alloc : memref<!tpu.dma_semaphore, #tpu.memory_space<semaphore_mem>>
      %dma_start3A = arith.constant 0 : i32
      %dma_start3A_46 = tpu.memref_slice %arg5[%run_scoped3A, %add3A_23, %dma_start3A] : memref<2x20224x64xf32, #tpu.memory_space<hbm>> -> memref<1x632x64xf32, #tpu.memory_space<hbm>>
      %dma_start3A_47 = tpu.memref_squeeze %dma_start3A_46 : memref<1x632x64xf32, #tpu.memory_space<hbm>> -> memref<632x64xf32, #tpu.memory_space<hbm>>
      %dma_start3A_48 = arith.constant 0 : i32
      %dma_start3A_49 = tpu.memref_slice %arg10[%mul3A_18, %dma_start3A_48] : memref<10112x64xf32, #tpu.memory_space<vmem_shared>> -> memref<632x64xf32, #tpu.memory_space<vmem_shared>>
      tpu.enqueue_dma source(%dma_start3A_49 : memref<632x64xf32, #tpu.memory_space<vmem_shared>>) target(%dma_start3A_47 : memref<632x64xf32, #tpu.memory_space<hbm>>) target_semaphore(%run_scoped3A_45 : memref<!tpu.dma_semaphore, #tpu.memory_space<semaphore_mem>>)
      %dma_wait3A = arith.constant 0 : i32
      %dma_wait3A_50 = tpu.memref_slice %arg5[%run_scoped3A, %add3A_23, %dma_wait3A] : memref<2x20224x64xf32, #tpu.memory_space<hbm>> -> memref<1x632x64xf32, #tpu.memory_space<hbm>>
      %dma_wait3A_51 = tpu.memref_squeeze %dma_wait3A_50 : memref<1x632x64xf32, #tpu.memory_space<hbm>> -> memref<632x64xf32, #tpu.memory_space<hbm>>
      %dma_wait3A_52 = arith.constant 0 : i32
      %dma_wait3A_53 = tpu.memref_slice %arg10[%mul3A_18, %dma_wait3A_52] : memref<10112x64xf32, #tpu.memory_space<vmem_shared>> -> memref<632x64xf32, #tpu.memory_space<vmem_shared>>
      tpu.wait_dma2 semaphore(%run_scoped3A_45 : memref<!tpu.dma_semaphore, #tpu.memory_space<semaphore_mem>>) src(%dma_wait3A_53 : memref<632x64xf32, #tpu.memory_space<vmem_shared>>) dst(%dma_wait3A_51 : memref<632x64xf32, #tpu.memory_space<hbm>>)
      tpu.yield
    }) : () -> ()
    %barrier3A_24 = arith.constant 0 : index
    tpu.barrier barrier_id(%barrier3A_24)
    %mul3A_25 = arith.constant 632 : i32
    %mul3A_26 = arith.muli %arg1, %mul3A_25 : i32
    "tpu.region"() ({
      %run_scoped3A_45 = tpu.sem_alloc : memref<!tpu.dma_semaphore, #tpu.memory_space<semaphore_mem>>
      %dma_start3A = arith.constant 0 : i32
      %dma_start3A_46 = tpu.memref_slice %arg10[%mul3A_26, %dma_start3A] : memref<10112x64xf32, #tpu.memory_space<vmem_shared>> -> memref<632x64xf32, #tpu.memory_space<vmem_shared>>
      %dma_start3A_47 = arith.constant 0 : i32
      %dma_start3A_48 = tpu.memref_slice %arg10[%mul3A_26, %dma_start3A_47] : memref<10112x64xf32, #tpu.memory_space<vmem_shared>> -> memref<632x64xf32, #tpu.memory_space<vmem_shared>>
      tpu.enqueue_dma source(%arg9 : memref<632x64xf32, #tpu.memory_space<vmem>>) target(%dma_start3A_48 : memref<632x64xf32, #tpu.memory_space<vmem_shared>>) target_semaphore(%run_scoped3A_45 : memref<!tpu.dma_semaphore, #tpu.memory_space<semaphore_mem>>)
      %dma_wait3A = arith.constant 0 : i32
      %dma_wait3A_49 = tpu.memref_slice %arg10[%mul3A_26, %dma_wait3A] : memref<10112x64xf32, #tpu.memory_space<vmem_shared>> -> memref<632x64xf32, #tpu.memory_space<vmem_shared>>
      %dma_wait3A_50 = arith.constant 0 : i32
      %dma_wait3A_51 = tpu.memref_slice %arg10[%mul3A_26, %dma_wait3A_50] : memref<10112x64xf32, #tpu.memory_space<vmem_shared>> -> memref<632x64xf32, #tpu.memory_space<vmem_shared>>
      tpu.wait_dma2 semaphore(%run_scoped3A_45 : memref<!tpu.dma_semaphore, #tpu.memory_space<semaphore_mem>>) src(%arg9 : memref<632x64xf32, #tpu.memory_space<vmem>>) dst(%dma_wait3A_51 : memref<632x64xf32, #tpu.memory_space<vmem_shared>>)
      tpu.yield
    }) : () -> ()
    %barrier3A_27 = arith.constant 0 : index
    tpu.barrier barrier_id(%barrier3A_27)
    %scan3A_28 = arith.constant 0 : i32
    %scan3A_29 = arith.constant 0 : i32
    %scan3A_30 = arith.constant 125 : i32
    %scan3A_31 = arith.addi %scan3A_29, %scan3A_30 : i32
    %scan3A_32 = arith.constant 1 : i32
    %scan3A_33 = scf.for %scan3A_45 = %scan3A_29 to %scan3A_31 step %scan3A_32 iter_args(%scan3A_46 = %scan3A_28) -> (i32)  : i32 {
      %mul3A_47 = arith.constant 10000 : i32
      %mul3A_48 = arith.muli %add3A, %mul3A_47 : i32
      %mul3A_49 = arith.constant 80 : i32
      %mul3A_50 = arith.muli %scan3A_45, %mul3A_49 : i32
      %add3A_51 = arith.addi %mul3A_48, %mul3A_50 : i32
      "tpu.region"() ({
        %run_scoped3A_120 = tpu.sem_alloc : memref<!tpu.dma_semaphore, #tpu.memory_space<semaphore_mem>>
        %dma_start3A_121 = tpu.memref_slice %arg3[%add3A_51] : memref<320000xi32, #tpu.memory_space<hbm>> -> memref<80xi32, #tpu.memory_space<hbm>>
        %dma_start3A_122 = tpu.memref_slice %arg3[%add3A_51] : memref<320000xi32, #tpu.memory_space<hbm>> -> memref<80xi32, #tpu.memory_space<hbm>>
        tpu.enqueue_dma source(%dma_start3A_122 : memref<80xi32, #tpu.memory_space<hbm>>) target(%arg6 : memref<80xi32, #tpu.memory_space<vmem>>) target_semaphore(%run_scoped3A_120 : memref<!tpu.dma_semaphore, #tpu.memory_space<semaphore_mem>>)
        %dma_wait3A_123 = tpu.memref_slice %arg3[%add3A_51] : memref<320000xi32, #tpu.memory_space<hbm>> -> memref<80xi32, #tpu.memory_space<hbm>>
        %dma_wait3A_124 = tpu.memref_slice %arg3[%add3A_51] : memref<320000xi32, #tpu.memory_space<hbm>> -> memref<80xi32, #tpu.memory_space<hbm>>
        tpu.wait_dma2 semaphore(%run_scoped3A_120 : memref<!tpu.dma_semaphore, #tpu.memory_space<semaphore_mem>>) src(%dma_wait3A_124 : memref<80xi32, #tpu.memory_space<hbm>>) dst(%arg6 : memref<80xi32, #tpu.memory_space<vmem>>)
        tpu.yield
      }) : () -> ()
      %get3A = arith.constant 0 : index
      %get3A_52 = tpu.vector_load %arg6[%get3A] {strides = array<i32>} : memref<80xi32, #tpu.memory_space<vmem>>, vector<16xi32>,
      %get3A_53 = vector.shape_cast %get3A_52 : vector<16xi32> to vector<16xi32>
      %mul3A_54 = arith.constant 2 : i32
      %mul3A_55 = vector.broadcast %mul3A_54 : i32 to vector<16xi32>
      %mul3A_56 = arith.muli %get3A_53, %mul3A_55 : vector<16xi32>
      %add3A_57 = arith.constant 1 : i32
      %add3A_58 = vector.broadcast %add3A_57 : i32 to vector<16xi32>
      %add3A_59 = arith.addi %mul3A_56, %add3A_58 : vector<16xi32>
      %swap3A = arith.constant 0 : index
      %swap3A_60 = tpu.vector_load %arg6[%swap3A] {strides = array<i32>} : memref<80xi32, #tpu.memory_space<vmem>>, vector<16xi32>,
      %swap3A_61 = vector.shape_cast %swap3A_60 : vector<16xi32> to vector<16xi32>
      %swap3A_62 = vector.shape_cast %add3A_59 : vector<16xi32> to vector<16xi32>
      tpu.vector_store %arg6[%swap3A], %swap3A_62 {strides = array<i32>} : memref<80xi32, #tpu.memory_space<vmem>>, vector<16xi32>,
      %get3A_63 = arith.constant 16 : index
      %get3A_64 = tpu.vector_load %arg6[%get3A_63] {strides = array<i32>} : memref<80xi32, #tpu.memory_space<vmem>>, vector<16xi32>,
      %get3A_65 = vector.shape_cast %get3A_64 : vector<16xi32> to vector<16xi32>
      %mul3A_66 = arith.constant 2 : i32
      %mul3A_67 = vector.broadcast %mul3A_66 : i32 to vector<16xi32>
      %mul3A_68 = arith.muli %get3A_65, %mul3A_67 : vector<16xi32>
      %add3A_69 = arith.constant 1 : i32
      %add3A_70 = vector.broadcast %add3A_69 : i32 to vector<16xi32>
      %add3A_71 = arith.addi %mul3A_68, %add3A_70 : vector<16xi32>
      %swap3A_72 = arith.constant 16 : index
      %swap3A_73 = tpu.vector_load %arg6[%swap3A_72] {strides = array<i32>} : memref<80xi32, #tpu.memory_space<vmem>>, vector<16xi32>,
      %swap3A_74 = vector.shape_cast %swap3A_73 : vector<16xi32> to vector<16xi32>
      %swap3A_75 = vector.shape_cast %add3A_71 : vector<16xi32> to vector<16xi32>
      tpu.vector_store %arg6[%swap3A_72], %swap3A_75 {strides = array<i32>} : memref<80xi32, #tpu.memory_space<vmem>>, vector<16xi32>,
      %get3A_76 = arith.constant 32 : index
      %get3A_77 = tpu.vector_load %arg6[%get3A_76] {strides = array<i32>} : memref<80xi32, #tpu.memory_space<vmem>>, vector<16xi32>,
      %get3A_78 = vector.shape_cast %get3A_77 : vector<16xi32> to vector<16xi32>
      %mul3A_79 = arith.constant 2 : i32
      %mul3A_80 = vector.broadcast %mul3A_79 : i32 to vector<16xi32>
      %mul3A_81 = arith.muli %get3A_78, %mul3A_80 : vector<16xi32>
      %add3A_82 = arith.constant 1 : i32
      %add3A_83 = vector.broadcast %add3A_82 : i32 to vector<16xi32>
      %add3A_84 = arith.addi %mul3A_81, %add3A_83 : vector<16xi32>
      %swap3A_85 = arith.constant 32 : index
      %swap3A_86 = tpu.vector_load %arg6[%swap3A_85] {strides = array<i32>} : memref<80xi32, #tpu.memory_space<vmem>>, vector<16xi32>,
      %swap3A_87 = vector.shape_cast %swap3A_86 : vector<16xi32> to vector<16xi32>
      %swap3A_88 = vector.shape_cast %add3A_84 : vector<16xi32> to vector<16xi32>
      tpu.vector_store %arg6[%swap3A_85], %swap3A_88 {strides = array<i32>} : memref<80xi32, #tpu.memory_space<vmem>>, vector<16xi32>,
      %get3A_89 = arith.constant 48 : index
      %get3A_90 = tpu.vector_load %arg6[%get3A_89] {strides = array<i32>} : memref<80xi32, #tpu.memory_space<vmem>>, vector<16xi32>,
      %get3A_91 = vector.shape_cast %get3A_90 : vector<16xi32> to vector<16xi32>
      %mul3A_92 = arith.constant 2 : i32
      %mul3A_93 = vector.broadcast %mul3A_92 : i32 to vector<16xi32>
      %mul3A_94 = arith.muli %get3A_91, %mul3A_93 : vector<16xi32>
      %add3A_95 = arith.constant 1 : i32
      %add3A_96 = vector.broadcast %add3A_95 : i32 to vector<16xi32>
      %add3A_97 = arith.addi %mul3A_94, %add3A_96 : vector<16xi32>
      %swap3A_98 = arith.constant 48 : index
      %swap3A_99 = tpu.vector_load %arg6[%swap3A_98] {strides = array<i32>} : memref<80xi32, #tpu.memory_space<vmem>>, vector<16xi32>,
      %swap3A_100 = vector.shape_cast %swap3A_99 : vector<16xi32> to vector<16xi32>
      %swap3A_101 = vector.shape_cast %add3A_97 : vector<16xi32> to vector<16xi32>
      tpu.vector_store %arg6[%swap3A_98], %swap3A_101 {strides = array<i32>} : memref<80xi32, #tpu.memory_space<vmem>>, vector<16xi32>,
      %get3A_102 = arith.constant 64 : index
      %get3A_103 = tpu.vector_load %arg6[%get3A_102] {strides = array<i32>} : memref<80xi32, #tpu.memory_space<vmem>>, vector<16xi32>,
      %get3A_104 = vector.shape_cast %get3A_103 : vector<16xi32> to vector<16xi32>
      %mul3A_105 = arith.constant 2 : i32
      %mul3A_106 = vector.broadcast %mul3A_105 : i32 to vector<16xi32>
      %mul3A_107 = arith.muli %get3A_104, %mul3A_106 : vector<16xi32>
      %add3A_108 = arith.constant 1 : i32
      %add3A_109 = vector.broadcast %add3A_108 : i32 to vector<16xi32>
      %add3A_110 = arith.addi %mul3A_107, %add3A_109 : vector<16xi32>
      %swap3A_111 = arith.constant 64 : index
      %swap3A_112 = tpu.vector_load %arg6[%swap3A_111] {strides = array<i32>} : memref<80xi32, #tpu.memory_space<vmem>>, vector<16xi32>,
      %swap3A_113 = vector.shape_cast %swap3A_112 : vector<16xi32> to vector<16xi32>
      %swap3A_114 = vector.shape_cast %add3A_110 : vector<16xi32> to vector<16xi32>
      tpu.vector_store %arg6[%swap3A_111], %swap3A_114 {strides = array<i32>} : memref<80xi32, #tpu.memory_space<vmem>>, vector<16xi32>,
      %dma_start3A = arith.constant 0 : i32
      %dma_start3A_115 = arith.constant 0 : i32
      %dma_start3A_116 = tpu.memref_slice %arg2[%dma_start3A, %dma_start3A_115] : memref<20000x64xf32, #tpu.memory_space<hbm>> -> memref<20000x64xf32, #tpu.memory_space<hbm>>
      tpu.enqueue_indirect_dma source(%dma_start3A_116 : memref<20000x64xf32, #tpu.memory_space<hbm>>) target(%arg8 : memref<80x64xf32, #tpu.memory_space<vmem>>) offsets(%arg6 : memref<80xi32, #tpu.memory_space<vmem>>) semaphore(%arg11 : memref<!tpu.dma_semaphore, #tpu.memory_space<semaphore_mem>>)
      %dma_wait3A = arith.constant 0 : i32
      %dma_wait3A_117 = arith.constant 0 : i32
      %dma_wait3A_118 = tpu.memref_slice %arg2[%dma_wait3A, %dma_wait3A_117] : memref<20000x64xf32, #tpu.memory_space<hbm>> -> memref<20000x64xf32, #tpu.memory_space<hbm>>
      tpu.wait_indirect_dma semaphore(%arg11 : memref<!tpu.dma_semaphore, #tpu.memory_space<semaphore_mem>>) src(%dma_wait3A_118 : memref<20000x64xf32, #tpu.memory_space<hbm>>) dst(%arg8 : memref<80x64xf32, #tpu.memory_space<vmem>>)
      "tpu.region"() ({
        %run_scoped3A_120 = tpu.sem_alloc : memref<!tpu.dma_semaphore, #tpu.memory_space<semaphore_mem>>
        %dma_start3A_121 = tpu.memref_slice %arg4[%add3A_51] : memref<320000xi32, #tpu.memory_space<hbm>> -> memref<80xi32, #tpu.memory_space<hbm>>
        %dma_start3A_122 = tpu.memref_slice %arg4[%add3A_51] : memref<320000xi32, #tpu.memory_space<hbm>> -> memref<80xi32, #tpu.memory_space<hbm>>
        tpu.enqueue_dma source(%dma_start3A_122 : memref<80xi32, #tpu.memory_space<hbm>>) target(%arg7 : memref<80xi32, #tpu.memory_space<vmem>>) target_semaphore(%run_scoped3A_120 : memref<!tpu.dma_semaphore, #tpu.memory_space<semaphore_mem>>)
        %dma_wait3A_123 = tpu.memref_slice %arg4[%add3A_51] : memref<320000xi32, #tpu.memory_space<hbm>> -> memref<80xi32, #tpu.memory_space<hbm>>
        %dma_wait3A_124 = tpu.memref_slice %arg4[%add3A_51] : memref<320000xi32, #tpu.memory_space<hbm>> -> memref<80xi32, #tpu.memory_space<hbm>>
        tpu.wait_dma2 semaphore(%run_scoped3A_120 : memref<!tpu.dma_semaphore, #tpu.memory_space<semaphore_mem>>) src(%dma_wait3A_124 : memref<80xi32, #tpu.memory_space<hbm>>) dst(%arg7 : memref<80xi32, #tpu.memory_space<vmem>>)
        tpu.yield
      }) : () -> ()
      "tpu.region"() ({
        %run_scoped3A_120 = tpu.sem_alloc : memref<!tpu.dma_semaphore, #tpu.memory_space<semaphore_mem>>
        %dma_start3A_121 = arith.constant 0 : i32
        %dma_start3A_122 = arith.constant 0 : i32
        %dma_start3A_123 = tpu.memref_slice %arg10[%dma_start3A_121, %dma_start3A_122] : memref<10112x64xf32, #tpu.memory_space<vmem_shared>> -> memref<10112x64xf32, #tpu.memory_space<vmem_shared>>
        tpu.enqueue_indirect_dma source(%arg8 : memref<80x64xf32, #tpu.memory_space<vmem>>) target(%dma_start3A_123 : memref<10112x64xf32, #tpu.memory_space<vmem_shared>>) offsets(%arg7 : memref<80xi32, #tpu.memory_space<vmem>>) semaphore(%run_scoped3A_120 : memref<!tpu.dma_semaphore, #tpu.memory_space<semaphore_mem>>) {add = true}
        %dma_wait3A_124 = arith.constant 0 : i32
        %dma_wait3A_125 = arith.constant 0 : i32
        %dma_wait3A_126 = tpu.memref_slice %arg10[%dma_wait3A_124, %dma_wait3A_125] : memref<10112x64xf32, #tpu.memory_space<vmem_shared>> -> memref<10112x64xf32, #tpu.memory_space<vmem_shared>>
        tpu.wait_indirect_dma semaphore(%run_scoped3A_120 : memref<!tpu.dma_semaphore, #tpu.memory_space<semaphore_mem>>) src(%arg8 : memref<80x64xf32, #tpu.memory_space<vmem>>) dst(%dma_wait3A_126 : memref<10112x64xf32, #tpu.memory_space<vmem_shared>>)
        tpu.yield
      }) : () -> ()
      %scan3A_119 = arith.constant 0 : i32
      scf.yield %scan3A_119 : i32
    }
    %scan3A_34 = arith.constant 125 : i32
    %barrier3A_35 = arith.constant 0 : index
    tpu.barrier barrier_id(%barrier3A_35)
    %mul3A_36 = arith.constant 632 : i32
    %mul3A_37 = arith.muli %arg1, %mul3A_36 : i32
    %mul3A_38 = arith.constant 10112 : i32
    %mul3A_39 = arith.muli %arg0, %mul3A_38 : i32
    %mul3A_40 = arith.constant 632 : i32
    %mul3A_41 = arith.muli %arg1, %mul3A_40 : i32
    %add3A_42 = arith.addi %mul3A_39, %mul3A_41 : i32
    %run_scoped3A_43 = arith.constant 1 : i32
    "tpu.region"() ({
      %run_scoped3A_45 = tpu.sem_alloc : memref<!tpu.dma_semaphore, #tpu.memory_space<semaphore_mem>>
      %dma_start3A = arith.constant 0 : i32
      %dma_start3A_46 = tpu.memref_slice %arg5[%run_scoped3A_43, %add3A_42, %dma_start3A] : memref<2x20224x64xf32, #tpu.memory_space<hbm>> -> memref<1x632x64xf32, #tpu.memory_space<hbm>>
      %dma_start3A_47 = tpu.memref_squeeze %dma_start3A_46 : memref<1x632x64xf32, #tpu.memory_space<hbm>> -> memref<632x64xf32, #tpu.memory_space<hbm>>
      %dma_start3A_48 = arith.constant 0 : i32
      %dma_start3A_49 = tpu.memref_slice %arg10[%mul3A_37, %dma_start3A_48] : memref<10112x64xf32, #tpu.memory_space<vmem_shared>> -> memref<632x64xf32, #tpu.memory_space<vmem_shared>>
      tpu.enqueue_dma source(%dma_start3A_49 : memref<632x64xf32, #tpu.memory_space<vmem_shared>>) target(%dma_start3A_47 : memref<632x64xf32, #tpu.memory_space<hbm>>) target_semaphore(%run_scoped3A_45 : memref<!tpu.dma_semaphore, #tpu.memory_space<semaphore_mem>>)
      %dma_wait3A = arith.constant 0 : i32
      %dma_wait3A_50 = tpu.memref_slice %arg5[%run_scoped3A_43, %add3A_42, %dma_wait3A] : memref<2x20224x64xf32, #tpu.memory_space<hbm>> -> memref<1x632x64xf32, #tpu.memory_space<hbm>>
      %dma_wait3A_51 = tpu.memref_squeeze %dma_wait3A_50 : memref<1x632x64xf32, #tpu.memory_space<hbm>> -> memref<632x64xf32, #tpu.memory_space<hbm>>
      %dma_wait3A_52 = arith.constant 0 : i32
      %dma_wait3A_53 = tpu.memref_slice %arg10[%mul3A_37, %dma_wait3A_52] : memref<10112x64xf32, #tpu.memory_space<vmem_shared>> -> memref<632x64xf32, #tpu.memory_space<vmem_shared>>
      tpu.wait_dma2 semaphore(%run_scoped3A_45 : memref<!tpu.dma_semaphore, #tpu.memory_space<semaphore_mem>>) src(%dma_wait3A_53 : memref<632x64xf32, #tpu.memory_space<vmem_shared>>) dst(%dma_wait3A_51 : memref<632x64xf32, #tpu.memory_space<hbm>>)
      tpu.yield
    }) : () -> ()
    %barrier3A_44 = arith.constant 0 : index
    tpu.barrier barrier_id(%barrier3A_44)
    return
  }
}

module attributes {stable_mosaic.version = 14 : i64} {
  func.func @_tc_scale_body(%arg0: i32, %arg1: memref<2x1000x16xf32, #tpu.memory_space<vmem>>, %arg2: memref<1000x128xf32, #tpu.memory_space<vmem>>, %arg3: memref<1000x128xf32, #tpu.memory_space<vmem>>, %arg4: memref<1000x1xf32, #tpu.memory_space<vmem>>) attributes {dimension_semantics = [#tpu.dimension_semantics<arbitrary>], iteration_bounds = array<i64: 10>, scalar_prefetch = 0 : i64, scratch_operands = 0 : i64, tpu.core_type = #tpu.core_type<tc>, window_params = [{transform_indices = @transform_0, window_bounds = array<i64: 2, 1000, 16>}, {transform_indices = @transform_1, window_bounds = array<i64: 1000, 128>}, {transform_indices = @transform_2, window_bounds = array<i64: 1000, 128>}, {transform_indices = @transform_3, window_bounds = array<i64: 1000, 1>}]} {
    %get3A = arith.constant 0 : index
    %get3A_0 = arith.constant 0 : index
    %get3A_1 = arith.constant 0 : index
    %get3A_2 = vector.load %arg1[%get3A, %get3A_0, %get3A_1] : memref<2x1000x16xf32, #tpu.memory_space<vmem>>, vector<1x1000x16xf32>
    %get3A_3 = vector.shape_cast %get3A_2 : vector<1x1000x16xf32> to vector<1000x16xf32>
    %get3A_4 = arith.constant 1 : index
    %get3A_5 = arith.constant 0 : index
    %get3A_6 = arith.constant 0 : index
    %get3A_7 = vector.load %arg1[%get3A_4, %get3A_5, %get3A_6] : memref<2x1000x16xf32, #tpu.memory_space<vmem>>, vector<1x1000x16xf32>
    %get3A_8 = vector.shape_cast %get3A_7 : vector<1x1000x16xf32> to vector<1000x16xf32>
    %add3A = arith.addf %get3A_3, %get3A_8 : vector<1000x16xf32>
    %add3A_9 = arith.constant 1.000000e+00 : f32
    %add3A_10 = vector.broadcast %add3A_9 : f32 to vector<1000x16xf32>
    %add3A_11 = arith.addf %add3A, %add3A_10 : vector<1000x16xf32>
    %max3A = arith.constant 1.000000e+00 : f32
    %max3A_12 = vector.broadcast %max3A : f32 to vector<1000x16xf32>
    %max3A_13 = arith.maximumf %add3A_11, %max3A_12 : vector<1000x16xf32>
    %rsqrt3A = math.rsqrt %max3A_13 : vector<1000x16xf32>
    %slice3A = vector.extract_strided_slice %rsqrt3A {offsets = [0, 0], sizes = [1000, 1], strides = [1, 1]} : vector<1000x16xf32> to vector<1000x1xf32>
    %get3A_14 = arith.constant 0 : index
    %get3A_15 = arith.constant 0 : index
    %get3A_16 = vector.load %arg2[%get3A_14, %get3A_15] : memref<1000x128xf32, #tpu.memory_space<vmem>>, vector<1000x128xf32>
    %mul3A = vector.broadcast %slice3A : vector<1000x1xf32> to vector<1000x128xf32>
    %mul3A_17 = arith.mulf %get3A_16, %mul3A : vector<1000x128xf32>
    %swap3A = arith.constant 0 : index
    %swap3A_18 = arith.constant 0 : index
    %swap3A_19 = vector.load %arg3[%swap3A, %swap3A_18] : memref<1000x128xf32, #tpu.memory_space<vmem>>, vector<1000x128xf32>
    tpu.vector_store %arg3[%swap3A, %swap3A_18], %mul3A_17 {strides = array<i32>} : memref<1000x128xf32, #tpu.memory_space<vmem>>, vector<1000x128xf32>,
    %swap3A_20 = arith.constant 0 : index
    %swap3A_21 = arith.constant 0 : index
    %swap3A_22 = vector.load %arg4[%swap3A_20, %swap3A_21] : memref<1000x1xf32, #tpu.memory_space<vmem>>, vector<1000x1xf32>
    tpu.vector_store %arg4[%swap3A_20, %swap3A_21], %slice3A {strides = array<i32>} : memref<1000x1xf32, #tpu.memory_space<vmem>>, vector<1000x1xf32>,
    return
  }
  func.func @transform_0(%arg0: i32) -> (i32, i32, i32) {
    %c0_i32 = arith.constant 0 : i32
    %c0_i32_0 = arith.constant 0 : i32
    %c0_i32_1 = arith.constant 0 : i32
    return %c0_i32, %arg0, %c0_i32_0 : i32, i32, i32
  }
  func.func @transform_1(%arg0: i32) -> (i32, i32) {
    %c0_i32 = arith.constant 0 : i32
    %c0_i32_0 = arith.constant 0 : i32
    return %arg0, %c0_i32 : i32, i32
  }
  func.func @transform_2(%arg0: i32) -> (i32, i32) {
    %c0_i32 = arith.constant 0 : i32
    %c0_i32_0 = arith.constant 0 : i32
    return %arg0, %c0_i32 : i32, i32
  }
  func.func @transform_3(%arg0: i32) -> (i32, i32) {
    %c0_i32 = arith.constant 0 : i32
    %c0_i32_0 = arith.constant 0 : i32
    return %arg0, %c0_i32 : i32, i32
  }
}

module attributes {stable_mosaic.version = 14 : i64} {
  func.func @_tc_layer1_body(%arg0: i32, %arg1: memref<2x2x1000x64xf32, #tpu.memory_space<vmem>>, %arg2: memref<1000x128xf32, #tpu.memory_space<vmem>>, %arg3: memref<1000x1xf32, #tpu.memory_space<vmem>>, %arg4: memref<128x256xf32, #tpu.memory_space<vmem>>, %arg5: memref<1x256xf32, #tpu.memory_space<vmem>>, %arg6: memref<256x128xf32, #tpu.memory_space<vmem>>, %arg7: memref<1000x128xf32, #tpu.memory_space<vmem>>) attributes {dimension_semantics = [#tpu.dimension_semantics<arbitrary>], iteration_bounds = array<i64: 10>, scalar_prefetch = 0 : i64, scratch_operands = 0 : i64, tpu.core_type = #tpu.core_type<tc>, window_params = [{transform_indices = @transform_0, window_bounds = array<i64: 2, 2, 1000, 64>}, {transform_indices = @transform_1, window_bounds = array<i64: 1000, 128>}, {transform_indices = @transform_2, window_bounds = array<i64: 1000, 1>}, {pipeline_mode = #tpu.pipeline_mode<synchronous>, transform_indices = @transform_3, window_bounds = array<i64: 128, 256>}, {pipeline_mode = #tpu.pipeline_mode<synchronous>, transform_indices = @transform_4, window_bounds = array<i64: 1, 256>}, {pipeline_mode = #tpu.pipeline_mode<synchronous>, transform_indices = @transform_5, window_bounds = array<i64: 256, 128>}, {transform_indices = @transform_6, window_bounds = array<i64: 1000, 128>}]} {
    %get3A = arith.constant 0 : index
    %get3A_0 = arith.constant 0 : index
    %get3A_1 = arith.constant 0 : index
    %get3A_2 = arith.constant 0 : index
    %get3A_3 = vector.load %arg1[%get3A, %get3A_0, %get3A_1, %get3A_2] : memref<2x2x1000x64xf32, #tpu.memory_space<vmem>>, vector<1x1x1000x64xf32>
    %get3A_4 = vector.shape_cast %get3A_3 : vector<1x1x1000x64xf32> to vector<1000x64xf32>
    %get3A_5 = arith.constant 0 : index
    %get3A_6 = arith.constant 1 : index
    %get3A_7 = arith.constant 0 : index
    %get3A_8 = arith.constant 0 : index
    %get3A_9 = vector.load %arg1[%get3A_5, %get3A_6, %get3A_7, %get3A_8] : memref<2x2x1000x64xf32, #tpu.memory_space<vmem>>, vector<1x1x1000x64xf32>
    %get3A_10 = vector.shape_cast %get3A_9 : vector<1x1x1000x64xf32> to vector<1000x64xf32>
    %add3A = arith.addf %get3A_4, %get3A_10 : vector<1000x64xf32>
    %get3A_11 = arith.constant 1 : index
    %get3A_12 = arith.constant 0 : index
    %get3A_13 = arith.constant 0 : index
    %get3A_14 = arith.constant 0 : index
    %get3A_15 = vector.load %arg1[%get3A_11, %get3A_12, %get3A_13, %get3A_14] : memref<2x2x1000x64xf32, #tpu.memory_space<vmem>>, vector<1x1x1000x64xf32>
    %get3A_16 = vector.shape_cast %get3A_15 : vector<1x1x1000x64xf32> to vector<1000x64xf32>
    %get3A_17 = arith.constant 1 : index
    %get3A_18 = arith.constant 1 : index
    %get3A_19 = arith.constant 0 : index
    %get3A_20 = arith.constant 0 : index
    %get3A_21 = vector.load %arg1[%get3A_17, %get3A_18, %get3A_19, %get3A_20] : memref<2x2x1000x64xf32, #tpu.memory_space<vmem>>, vector<1x1x1000x64xf32>
    %get3A_22 = vector.shape_cast %get3A_21 : vector<1x1x1000x64xf32> to vector<1000x64xf32>
    %add3A_23 = arith.addf %get3A_16, %get3A_22 : vector<1000x64xf32>
    %concatenate3A = tpu.concatenate %add3A, %add3A_23 in 1 : vector<1000x64xf32>, vector<1000x64xf32> -> vector<1000x128xf32>
    %get3A_24 = arith.constant 0 : index
    %get3A_25 = arith.constant 0 : index
    %get3A_26 = vector.load %arg2[%get3A_24, %get3A_25] : memref<1000x128xf32, #tpu.memory_space<vmem>>, vector<1000x128xf32>
    %add3A_27 = arith.addf %concatenate3A, %get3A_26 : vector<1000x128xf32>
    %get3A_28 = arith.constant 0 : index
    %get3A_29 = arith.constant 0 : index
    %get3A_30 = vector.load %arg3[%get3A_28, %get3A_29] : memref<1000x1xf32, #tpu.memory_space<vmem>>, vector<1000x1xf32>
    %mul3A = vector.broadcast %get3A_30 : vector<1000x1xf32> to vector<1000x128xf32>
    %mul3A_31 = arith.mulf %add3A_27, %mul3A : vector<1000x128xf32>
    %get3A_32 = arith.constant 0 : index
    %get3A_33 = arith.constant 0 : index
    %get3A_34 = vector.load %arg4[%get3A_32, %get3A_33] : memref<128x256xf32, #tpu.memory_space<vmem>>, vector<128x256xf32>
    %dot_general3A = arith.constant dense<0.000000e+00> : vector<1000x256xf32>
    %dot_general3A_35 = tpu.matmul %mul3A_31, %get3A_34, %dot_general3A {dimension_numbers = #tpu.dot_dimension_numbers<[1], [0], [0], [1], [0, 0, 1, 1], [], []>, transpose_lhs_hint = false} : vector<1000x128xf32>, vector<128x256xf32>, vector<1000x256xf32> -> vector<1000x256xf32>
    %get3A_36 = arith.constant 0 : index
    %get3A_37 = arith.constant 0 : index
    %get3A_38 = vector.load %arg5[%get3A_36, %get3A_37] : memref<1x256xf32, #tpu.memory_space<vmem>>, vector<1x256xf32>
    %add3A_39 = vector.broadcast %get3A_38 : vector<1x256xf32> to vector<1000x256xf32>
    %add3A_40 = arith.addf %dot_general3A_35, %add3A_39 : vector<1000x256xf32>
    %max3A = arith.constant 0.000000e+00 : f32
    %max3A_41 = vector.broadcast %max3A : f32 to vector<1000x256xf32>
    %max3A_42 = arith.maximumf %add3A_40, %max3A_41 : vector<1000x256xf32>
    %get3A_43 = arith.constant 0 : index
    %get3A_44 = arith.constant 0 : index
    %get3A_45 = vector.load %arg6[%get3A_43, %get3A_44] : memref<256x128xf32, #tpu.memory_space<vmem>>, vector<256x128xf32>
    %dot_general3A_46 = arith.constant dense<0.000000e+00> : vector<1000x128xf32>
    %dot_general3A_47 = tpu.matmul %max3A_42, %get3A_45, %dot_general3A_46 {dimension_numbers = #tpu.dot_dimension_numbers<[1], [0], [0], [1], [0, 0, 1, 1], [], []>, transpose_lhs_hint = false} : vector<1000x256xf32>, vector<256x128xf32>, vector<1000x128xf32> -> vector<1000x128xf32>
    %get3A_48 = arith.constant 0 : index
    %get3A_49 = arith.constant 0 : index
    %get3A_50 = vector.load %arg3[%get3A_48, %get3A_49] : memref<1000x1xf32, #tpu.memory_space<vmem>>, vector<1000x1xf32>
    %mul3A_51 = vector.broadcast %get3A_50 : vector<1000x1xf32> to vector<1000x128xf32>
    %mul3A_52 = arith.mulf %dot_general3A_47, %mul3A_51 : vector<1000x128xf32>
    %swap3A = arith.constant 0 : index
    %swap3A_53 = arith.constant 0 : index
    %swap3A_54 = vector.load %arg7[%swap3A, %swap3A_53] : memref<1000x128xf32, #tpu.memory_space<vmem>>, vector<1000x128xf32>
    tpu.vector_store %arg7[%swap3A, %swap3A_53], %mul3A_52 {strides = array<i32>} : memref<1000x128xf32, #tpu.memory_space<vmem>>, vector<1000x128xf32>,
    return
  }
  func.func @transform_0(%arg0: i32) -> (i32, i32, i32, i32) {
    %c0_i32 = arith.constant 0 : i32
    %c0_i32_0 = arith.constant 0 : i32
    %c0_i32_1 = arith.constant 0 : i32
    %c0_i32_2 = arith.constant 0 : i32
    return %c0_i32, %c0_i32_0, %arg0, %c0_i32_1 : i32, i32, i32, i32
  }
  func.func @transform_1(%arg0: i32) -> (i32, i32) {
    %c0_i32 = arith.constant 0 : i32
    %c0_i32_0 = arith.constant 0 : i32
    return %arg0, %c0_i32 : i32, i32
  }
  func.func @transform_2(%arg0: i32) -> (i32, i32) {
    %c0_i32 = arith.constant 0 : i32
    %c0_i32_0 = arith.constant 0 : i32
    return %arg0, %c0_i32 : i32, i32
  }
  func.func @transform_3(%arg0: i32) -> (i32, i32) {
    %c0_i32 = arith.constant 0 : i32
    %c0_i32_0 = arith.constant 0 : i32
    %c0_i32_1 = arith.constant 0 : i32
    return %c0_i32, %c0_i32_0 : i32, i32
  }
  func.func @transform_4(%arg0: i32) -> (i32, i32) {
    %c0_i32 = arith.constant 0 : i32
    %c0_i32_0 = arith.constant 0 : i32
    %c0_i32_1 = arith.constant 0 : i32
    return %c0_i32, %c0_i32_0 : i32, i32
  }
  func.func @transform_5(%arg0: i32) -> (i32, i32) {
    %c0_i32 = arith.constant 0 : i32
    %c0_i32_0 = arith.constant 0 : i32
    %c0_i32_1 = arith.constant 0 : i32
    return %c0_i32, %c0_i32_0 : i32, i32
  }
  func.func @transform_6(%arg0: i32) -> (i32, i32) {
    %c0_i32 = arith.constant 0 : i32
    %c0_i32_0 = arith.constant 0 : i32
    return %arg0, %c0_i32 : i32, i32
  }
}

module attributes {stable_mosaic.version = 14 : i64} {
  func.func @_tc_final_body(%arg0: i32, %arg1: memref<2x2x1000x64xf32, #tpu.memory_space<vmem>>, %arg2: memref<1000x128xf32, #tpu.memory_space<vmem>>, %arg3: memref<1000x1xf32, #tpu.memory_space<vmem>>, %arg4: memref<1000x1xi32, #tpu.memory_space<vmem>>, %arg5: memref<1x128xf32, #tpu.memory_space<vmem>>, %arg6: memref<128x256xf32, #tpu.memory_space<vmem>>, %arg7: memref<1x256xf32, #tpu.memory_space<vmem>>, %arg8: memref<256x128xf32, #tpu.memory_space<vmem>>, %arg9: memref<1x128xf32, #tpu.memory_space<vmem>>, %arg10: memref<1000x128xf32, #tpu.memory_space<vmem>>, %arg11: memref<1000x128xf32, #tpu.memory_space<vmem>>, %arg12: memref<16x128xf32, #tpu.memory_space<vmem>>, %arg13: memref<16x128xf32, #tpu.memory_space<vmem>>, %arg14: memref<16x128xf32, #tpu.memory_space<vmem>>) attributes {dimension_semantics = [#tpu.dimension_semantics<arbitrary>], iteration_bounds = array<i64: 10>, scalar_prefetch = 0 : i64, scratch_operands = 2 : i64, tpu.core_type = #tpu.core_type<tc>, window_params = [{transform_indices = @transform_0, window_bounds = array<i64: 2, 2, 1000, 64>}, {transform_indices = @transform_1, window_bounds = array<i64: 1000, 128>}, {transform_indices = @transform_2, window_bounds = array<i64: 1000, 1>}, {transform_indices = @transform_3, window_bounds = array<i64: 1000, 1>}, {pipeline_mode = #tpu.pipeline_mode<synchronous>, transform_indices = @transform_4, window_bounds = array<i64: 1, 128>}, {pipeline_mode = #tpu.pipeline_mode<synchronous>, transform_indices = @transform_5, window_bounds = array<i64: 128, 256>}, {pipeline_mode = #tpu.pipeline_mode<synchronous>, transform_indices = @transform_6, window_bounds = array<i64: 1, 256>}, {pipeline_mode = #tpu.pipeline_mode<synchronous>, transform_indices = @transform_7, window_bounds = array<i64: 256, 128>}, {pipeline_mode = #tpu.pipeline_mode<synchronous>, transform_indices = @transform_8, window_bounds = array<i64: 1, 128>}, {transform_indices = @transform_9, window_bounds = array<i64: 1000, 128>}, {transform_indices = @transform_10, window_bounds = array<i64: 1000, 128>}, {pipeline_mode = #tpu.pipeline_mode<synchronous>, transform_indices = @transform_11, window_bounds = array<i64: 16, 128>}]} {
    %get3A = arith.constant 0 : index
    %get3A_0 = arith.constant 0 : index
    %get3A_1 = arith.constant 0 : index
    %get3A_2 = arith.constant 0 : index
    %get3A_3 = vector.load %arg1[%get3A, %get3A_0, %get3A_1, %get3A_2] : memref<2x2x1000x64xf32, #tpu.memory_space<vmem>>, vector<1x1x1000x64xf32>
    %get3A_4 = vector.shape_cast %get3A_3 : vector<1x1x1000x64xf32> to vector<1000x64xf32>
    %get3A_5 = arith.constant 0 : index
    %get3A_6 = arith.constant 1 : index
    %get3A_7 = arith.constant 0 : index
    %get3A_8 = arith.constant 0 : index
    %get3A_9 = vector.load %arg1[%get3A_5, %get3A_6, %get3A_7, %get3A_8] : memref<2x2x1000x64xf32, #tpu.memory_space<vmem>>, vector<1x1x1000x64xf32>
    %get3A_10 = vector.shape_cast %get3A_9 : vector<1x1x1000x64xf32> to vector<1000x64xf32>
    %add3A = arith.addf %get3A_4, %get3A_10 : vector<1000x64xf32>
    %get3A_11 = arith.constant 1 : index
    %get3A_12 = arith.constant 0 : index
    %get3A_13 = arith.constant 0 : index
    %get3A_14 = arith.constant 0 : index
    %get3A_15 = vector.load %arg1[%get3A_11, %get3A_12, %get3A_13, %get3A_14] : memref<2x2x1000x64xf32, #tpu.memory_space<vmem>>, vector<1x1x1000x64xf32>
    %get3A_16 = vector.shape_cast %get3A_15 : vector<1x1x1000x64xf32> to vector<1000x64xf32>
    %get3A_17 = arith.constant 1 : index
    %get3A_18 = arith.constant 1 : index
    %get3A_19 = arith.constant 0 : index
    %get3A_20 = arith.constant 0 : index
    %get3A_21 = vector.load %arg1[%get3A_17, %get3A_18, %get3A_19, %get3A_20] : memref<2x2x1000x64xf32, #tpu.memory_space<vmem>>, vector<1x1x1000x64xf32>
    %get3A_22 = vector.shape_cast %get3A_21 : vector<1x1x1000x64xf32> to vector<1000x64xf32>
    %add3A_23 = arith.addf %get3A_16, %get3A_22 : vector<1000x64xf32>
    %concatenate3A = tpu.concatenate %add3A, %add3A_23 in 1 : vector<1000x64xf32>, vector<1000x64xf32> -> vector<1000x128xf32>
    %get3A_24 = arith.constant 0 : index
    %get3A_25 = arith.constant 0 : index
    %get3A_26 = vector.load %arg2[%get3A_24, %get3A_25] : memref<1000x128xf32, #tpu.memory_space<vmem>>, vector<1000x128xf32>
    %add3A_27 = arith.addf %concatenate3A, %get3A_26 : vector<1000x128xf32>
    %get3A_28 = arith.constant 0 : index
    %get3A_29 = arith.constant 0 : index
    %get3A_30 = vector.load %arg3[%get3A_28, %get3A_29] : memref<1000x1xf32, #tpu.memory_space<vmem>>, vector<1000x1xf32>
    %mul3A = vector.broadcast %get3A_30 : vector<1000x1xf32> to vector<1000x128xf32>
    %mul3A_31 = arith.mulf %add3A_27, %mul3A : vector<1000x128xf32>
    %get3A_32 = arith.constant 0 : index
    %get3A_33 = arith.constant 0 : index
    %get3A_34 = vector.load %arg5[%get3A_32, %get3A_33] : memref<1x128xf32, #tpu.memory_space<vmem>>, vector<1x128xf32>
    %add3A_35 = vector.broadcast %get3A_34 : vector<1x128xf32> to vector<1000x128xf32>
    %add3A_36 = arith.addf %mul3A_31, %add3A_35 : vector<1000x128xf32>
    %swap3A = arith.constant 0 : index
    %swap3A_37 = arith.constant 0 : index
    %swap3A_38 = vector.load %arg11[%swap3A, %swap3A_37] : memref<1000x128xf32, #tpu.memory_space<vmem>>, vector<1000x128xf32>
    tpu.vector_store %arg11[%swap3A, %swap3A_37], %add3A_36 {strides = array<i32>} : memref<1000x128xf32, #tpu.memory_space<vmem>>, vector<1000x128xf32>,
    %get3A_39 = arith.constant 0 : index
    %get3A_40 = arith.constant 0 : index
    %get3A_41 = vector.load %arg6[%get3A_39, %get3A_40] : memref<128x256xf32, #tpu.memory_space<vmem>>, vector<128x256xf32>
    %dot_general3A = arith.constant dense<0.000000e+00> : vector<1000x256xf32>
    %dot_general3A_42 = tpu.matmul %add3A_36, %get3A_41, %dot_general3A {dimension_numbers = #tpu.dot_dimension_numbers<[1], [0], [0], [1], [0, 0, 1, 1], [], []>, transpose_lhs_hint = false} : vector<1000x128xf32>, vector<128x256xf32>, vector<1000x256xf32> -> vector<1000x256xf32>
    %get3A_43 = arith.constant 0 : index
    %get3A_44 = arith.constant 0 : index
    %get3A_45 = vector.load %arg7[%get3A_43, %get3A_44] : memref<1x256xf32, #tpu.memory_space<vmem>>, vector<1x256xf32>
    %add3A_46 = vector.broadcast %get3A_45 : vector<1x256xf32> to vector<1000x256xf32>
    %add3A_47 = arith.addf %dot_general3A_42, %add3A_46 : vector<1000x256xf32>
    %max3A = arith.constant 0.000000e+00 : f32
    %max3A_48 = vector.broadcast %max3A : f32 to vector<1000x256xf32>
    %max3A_49 = arith.maximumf %add3A_47, %max3A_48 : vector<1000x256xf32>
    %get3A_50 = arith.constant 0 : index
    %get3A_51 = arith.constant 0 : index
    %get3A_52 = vector.load %arg8[%get3A_50, %get3A_51] : memref<256x128xf32, #tpu.memory_space<vmem>>, vector<256x128xf32>
    %dot_general3A_53 = arith.constant dense<0.000000e+00> : vector<1000x128xf32>
    %dot_general3A_54 = tpu.matmul %max3A_49, %get3A_52, %dot_general3A_53 {dimension_numbers = #tpu.dot_dimension_numbers<[1], [0], [0], [1], [0, 0, 1, 1], [], []>, transpose_lhs_hint = false} : vector<1000x256xf32>, vector<256x128xf32>, vector<1000x128xf32> -> vector<1000x128xf32>
    %get3A_55 = arith.constant 0 : index
    %get3A_56 = arith.constant 0 : index
    %get3A_57 = vector.load %arg9[%get3A_55, %get3A_56] : memref<1x128xf32, #tpu.memory_space<vmem>>, vector<1x128xf32>
    %add3A_58 = vector.broadcast %get3A_57 : vector<1x128xf32> to vector<1000x128xf32>
    %add3A_59 = arith.addf %dot_general3A_54, %add3A_58 : vector<1000x128xf32>
    %swap3A_60 = arith.constant 0 : index
    %swap3A_61 = arith.constant 0 : index
    %swap3A_62 = vector.load %arg10[%swap3A_60, %swap3A_61] : memref<1000x128xf32, #tpu.memory_space<vmem>>, vector<1000x128xf32>
    tpu.vector_store %arg10[%swap3A_60, %swap3A_61], %add3A_59 {strides = array<i32>} : memref<1000x128xf32, #tpu.memory_space<vmem>>, vector<1000x128xf32>,
    %iota3A = tpu.iota {dimensions = array<i32: 1>} : vector<1000x16xi32>
    %get3A_63 = arith.constant 0 : index
    %get3A_64 = arith.constant 0 : index
    %get3A_65 = vector.load %arg4[%get3A_63, %get3A_64] : memref<1000x1xi32, #tpu.memory_space<vmem>>, vector<1000x1xi32>
    %eq3A = vector.broadcast %get3A_65 : vector<1000x1xi32> to vector<1000x16xi32>
    %eq3A_66 = arith.cmpi eq, %eq3A, %iota3A : vector<1000x16xi32>
    %convert_element_type3A = arith.extui %eq3A_66 : vector<1000x16xi1> to vector<1000x16xi32>
    %convert_element_type3A_67 = arith.sitofp %convert_element_type3A : vector<1000x16xi32> to vector<1000x16xf32>
    %eq3A_68 = arith.constant 0 : i32
    %eq3A_69 = arith.cmpi eq, %arg0, %eq3A_68 : i32
    %convert_element_type3A_70 = arith.extui %eq3A_69 : i1 to i32
    %cond3A = arith.constant 0 : i32
    %cond3A_71 = arith.cmpi ne, %convert_element_type3A_70, %cond3A : i32
    scf.if %cond3A_71 {
      %broadcast_in_dim3A_103 = arith.constant 0.000000e+00 : f32
      %broadcast_in_dim3A_104 = vector.broadcast %broadcast_in_dim3A_103 : f32 to vector<16x128xf32>
      %swap3A_105 = arith.constant 0 : index
      %swap3A_106 = arith.constant 0 : index
      %swap3A_107 = vector.load %arg13[%swap3A_105, %swap3A_106] : memref<16x128xf32, #tpu.memory_space<vmem>>, vector<16x128xf32>
      tpu.vector_store %arg13[%swap3A_105, %swap3A_106], %broadcast_in_dim3A_104 {strides = array<i32>} : memref<16x128xf32, #tpu.memory_space<vmem>>, vector<16x128xf32>,
      %broadcast_in_dim3A_108 = arith.constant 0.000000e+00 : f32
      %broadcast_in_dim3A_109 = vector.broadcast %broadcast_in_dim3A_108 : f32 to vector<16x128xf32>
      %swap3A_110 = arith.constant 0 : index
      %swap3A_111 = arith.constant 0 : index
      %swap3A_112 = vector.load %arg14[%swap3A_110, %swap3A_111] : memref<16x128xf32, #tpu.memory_space<vmem>>, vector<16x128xf32>
      tpu.vector_store %arg14[%swap3A_110, %swap3A_111], %broadcast_in_dim3A_109 {strides = array<i32>} : memref<16x128xf32, #tpu.memory_space<vmem>>, vector<16x128xf32>,
    } else {
    }
    %get3A_72 = arith.constant 0 : index
    %get3A_73 = arith.constant 0 : index
    %get3A_74 = vector.load %arg13[%get3A_72, %get3A_73] : memref<16x128xf32, #tpu.memory_space<vmem>>, vector<16x128xf32>
    %dot_general3A_75 = arith.constant dense<0.000000e+00> : vector<16x128xf32>
    %dot_general3A_76 = tpu.matmul %convert_element_type3A_67, %add3A_36, %dot_general3A_75 {dimension_numbers = #tpu.dot_dimension_numbers<[0], [0], [1], [1], [0, 1, 1, 1], [], []>, transpose_lhs_hint = false} : vector<1000x16xf32>, vector<1000x128xf32>, vector<16x128xf32> -> vector<16x128xf32>
    %add3A_77 = arith.addf %get3A_74, %dot_general3A_76 : vector<16x128xf32>
    %swap3A_78 = arith.constant 0 : index
    %swap3A_79 = arith.constant 0 : index
    %swap3A_80 = vector.load %arg13[%swap3A_78, %swap3A_79] : memref<16x128xf32, #tpu.memory_space<vmem>>, vector<16x128xf32>
    tpu.vector_store %arg13[%swap3A_78, %swap3A_79], %add3A_77 {strides = array<i32>} : memref<16x128xf32, #tpu.memory_space<vmem>>, vector<16x128xf32>,
    %get3A_81 = arith.constant 0 : index
    %get3A_82 = arith.constant 0 : index
    %get3A_83 = vector.load %arg14[%get3A_81, %get3A_82] : memref<16x128xf32, #tpu.memory_space<vmem>>, vector<16x128xf32>
    %broadcast_in_dim3A = arith.constant 1.000000e+00 : f32
    %broadcast_in_dim3A_84 = vector.broadcast %broadcast_in_dim3A : f32 to vector<1000x128xf32>
    %dot_general3A_85 = arith.constant dense<0.000000e+00> : vector<16x128xf32>
    %dot_general3A_86 = tpu.matmul %convert_element_type3A_67, %broadcast_in_dim3A_84, %dot_general3A_85 {dimension_numbers = #tpu.dot_dimension_numbers<[0], [0], [1], [1], [0, 1, 1, 1], [], []>, transpose_lhs_hint = false} : vector<1000x16xf32>, vector<1000x128xf32>, vector<16x128xf32> -> vector<16x128xf32>
    %add3A_87 = arith.addf %get3A_83, %dot_general3A_86 : vector<16x128xf32>
    %swap3A_88 = arith.constant 0 : index
    %swap3A_89 = arith.constant 0 : index
    %swap3A_90 = vector.load %arg14[%swap3A_88, %swap3A_89] : memref<16x128xf32, #tpu.memory_space<vmem>>, vector<16x128xf32>
    tpu.vector_store %arg14[%swap3A_88, %swap3A_89], %add3A_87 {strides = array<i32>} : memref<16x128xf32, #tpu.memory_space<vmem>>, vector<16x128xf32>,
    %get3A_91 = arith.constant 0 : index
    %get3A_92 = arith.constant 0 : index
    %get3A_93 = vector.load %arg13[%get3A_91, %get3A_92] : memref<16x128xf32, #tpu.memory_space<vmem>>, vector<16x128xf32>
    %get3A_94 = arith.constant 0 : index
    %get3A_95 = arith.constant 0 : index
    %get3A_96 = vector.load %arg14[%get3A_94, %get3A_95] : memref<16x128xf32, #tpu.memory_space<vmem>>, vector<16x128xf32>
    %max3A_97 = arith.constant 1.000000e+00 : f32
    %max3A_98 = vector.broadcast %max3A_97 : f32 to vector<16x128xf32>
    %max3A_99 = arith.maximumf %get3A_96, %max3A_98 : vector<16x128xf32>
    %div3A = arith.divf %get3A_93, %max3A_99 : vector<16x128xf32>
    %swap3A_100 = arith.constant 0 : index
    %swap3A_101 = arith.constant 0 : index
    %swap3A_102 = vector.load %arg12[%swap3A_100, %swap3A_101] : memref<16x128xf32, #tpu.memory_space<vmem>>, vector<16x128xf32>
    tpu.vector_store %arg12[%swap3A_100, %swap3A_101], %div3A {strides = array<i32>} : memref<16x128xf32, #tpu.memory_space<vmem>>, vector<16x128xf32>,
    return
  }
  func.func @transform_0(%arg0: i32) -> (i32, i32, i32, i32) {
    %c0_i32 = arith.constant 0 : i32
    %c0_i32_0 = arith.constant 0 : i32
    %c0_i32_1 = arith.constant 0 : i32
    %c0_i32_2 = arith.constant 0 : i32
    return %c0_i32, %c0_i32_0, %arg0, %c0_i32_1 : i32, i32, i32, i32
  }
  func.func @transform_1(%arg0: i32) -> (i32, i32) {
    %c0_i32 = arith.constant 0 : i32
    %c0_i32_0 = arith.constant 0 : i32
    return %arg0, %c0_i32 : i32, i32
  }
  func.func @transform_2(%arg0: i32) -> (i32, i32) {
    %c0_i32 = arith.constant 0 : i32
    %c0_i32_0 = arith.constant 0 : i32
    return %arg0, %c0_i32 : i32, i32
  }
  func.func @transform_3(%arg0: i32) -> (i32, i32) {
    %c0_i32 = arith.constant 0 : i32
    %c0_i32_0 = arith.constant 0 : i32
    return %arg0, %c0_i32 : i32, i32
  }
  func.func @transform_4(%arg0: i32) -> (i32, i32) {
    %c0_i32 = arith.constant 0 : i32
    %c0_i32_0 = arith.constant 0 : i32
    %c0_i32_1 = arith.constant 0 : i32
    return %c0_i32, %c0_i32_0 : i32, i32
  }
  func.func @transform_5(%arg0: i32) -> (i32, i32) {
    %c0_i32 = arith.constant 0 : i32
    %c0_i32_0 = arith.constant 0 : i32
    %c0_i32_1 = arith.constant 0 : i32
    return %c0_i32, %c0_i32_0 : i32, i32
  }
  func.func @transform_6(%arg0: i32) -> (i32, i32) {
    %c0_i32 = arith.constant 0 : i32
    %c0_i32_0 = arith.constant 0 : i32
    %c0_i32_1 = arith.constant 0 : i32
    return %c0_i32, %c0_i32_0 : i32, i32
  }
  func.func @transform_7(%arg0: i32) -> (i32, i32) {
    %c0_i32 = arith.constant 0 : i32
    %c0_i32_0 = arith.constant 0 : i32
    %c0_i32_1 = arith.constant 0 : i32
    return %c0_i32, %c0_i32_0 : i32, i32
  }
  func.func @transform_8(%arg0: i32) -> (i32, i32) {
    %c0_i32 = arith.constant 0 : i32
    %c0_i32_0 = arith.constant 0 : i32
    %c0_i32_1 = arith.constant 0 : i32
    return %c0_i32, %c0_i32_0 : i32, i32
  }
  func.func @transform_9(%arg0: i32) -> (i32, i32) {
    %c0_i32 = arith.constant 0 : i32
    %c0_i32_0 = arith.constant 0 : i32
    return %arg0, %c0_i32 : i32, i32
  }
  func.func @transform_10(%arg0: i32) -> (i32, i32) {
    %c0_i32 = arith.constant 0 : i32
    %c0_i32_0 = arith.constant 0 : i32
    return %arg0, %c0_i32 : i32, i32
  }
  func.func @transform_11(%arg0: i32) -> (i32, i32) {
    %c0_i32 = arith.constant 0 : i32
    %c0_i32_0 = arith.constant 0 : i32
    %c0_i32_1 = arith.constant 0 : i32
    return %c0_i32, %c0_i32_0 : i32, i32
  }
}

</mosaic_0001>

<sc_bundles>
// kernel: body.8.cloned.1.call-start
scs
__scs_entry_jumppad:
0x0: {  	(pc) =	sbr.rel $0x88, $3  }
0x1: {  	(tag) =	ssettag $0x0;
	lr =	simm.s32 $0x1  }
0x2: {  	[smem:$0x3F96] =	sst lr;
	_ =	strace $0xD0000000  }
0x3: {  	_ = 	snop  }
0x4: {  	_ = 	snop  }
0x5: {  	_ = 	snop  }
0x6: {  	_ = 	snop  }
0x7: {  	_ = 	snop  }
__scs_overlays_trampoline_lowered:
0x8: {  	[smem:$0x3FA5] =	sst s0  }
0x9: {  	[smem:$0x3FA6] =	sst s1  }
0xa: {  	[smem:$0x3FA7] =	sst s2  }
0xb: {  	[smem:$0x3FA8] =	sst s3  }
0xc: {  	[smem:$0x3FA9] =	sst s4  }
0xd: {  	[smem:$0x3FAA] =	sst s5  }
0xe: {  	[smem:$0x3FAB] =	sst s6  }
0xf: {  	[smem:$0x3FAC] =	sst s7  }
0x10: {  	[smem:$0x3FAD] =	sst s8  }
0x11: {  	[smem:$0x3FAE] =	sst s9;
	s0 =	simm.s32 @!p0 $0x0  }
0x12: {  	s1 =	sld [smem:$0x3F94];
	s0 =	simm.s32 @p0 $0x1  }
0x13: {  	[smem:$0x3FAF] =	sst s0;
	s0 =	simm.s32 @!p1 $0x0  }
0x14: {  	s2 =	sld [smem:$0x3F93];
	s0 =	simm.s32 @p1 $0x1  }
0x15: {  	[smem:$0x3FB0] =	sst s0;
	s0 =	simm.s32 @!p2 $0x0  }
0x16: {  	s3 =	sld [smem:$0x3FDB];
	s0 =	simm.s32 @p2 $0x1  }
0x17: {  	s4 =	simm.s32 $0x1BF5;
	[smem:$0x3FB2] =	sst s0  }
0x18: {  	s0 =	sld [smem:$0x3F95];
	_ =	swait.ge [sflag:s4], $0x0  }
0x19: {  	s7 =	sld [smem:$0x3F96]  }
0x1a: {  	s8 =	sadd.s32 $0xFFFFE003, lr  }
0x1b: {  	s9 =	sadd.s32 $0xFFFFFEF7, lr;
	s5 =	simm.s32 $0xFFFFFFFF;
	p2 =	slt.u32 s8, $0xFFFFF086  }
0x1c: {  	p1 =	slt.u32 s9, $0xF7A;
	s5 =	simm.s32 @!p2 $0x0  }
0x1d: {  	s5 =	simm.s32 @p1 $0x1;
	p0 =	seq.s32 s7, s2  }
0x1e: {  	s7 =	smul.u32 @!p0 $0xF7A, s2;
	p2 =	seq.s32 @!p0 s5, $0x0  }
0x1f: {  	s9 =	smul.u32 $0xF7A, s1;
	s8 =	simm.s32 @!p0 $0x1BF5;
	p2 =	por !p2, p0  }
0x20: {  	[sflag:s8] =	ssyncset.s32 @!p0 $0xFFFFF086;
	s6 =	sadd.s32 @!p0 s3, s7;
	s7 =	simm.s32 @!p0 $0x108  }
0x21: {  	s3 =	sadd.s32 s3, s9;
	s6 =	sadd.s32 @!p0 $0x88, s6;
	s7 =	simm.s32 @p2 $0x1082  }
0x22: {  	[simem:s7], [sflag:s8] =	dma.local @!p0 [hbm:s6], $0xF7A  }
0x23: {  	s9 =	sor.u32 $0xD0000000, s2;
	s6 =	simm.s32 $0x108;
	_ =	swait.ge @!p0 [sflag:s8], $0x0  }
0x24: {  	s3 =	sadd.s32 $0x88, s3;
	s6 =	simm.s32 @!p1 $0x1082;
	[sflag:s4] =	ssyncset.s32 $0xFFFFF086  }
0x25: {  	[simem:s6], [sflag:s4] =	dma.local [hbm:s3], $0xF7A  }
0x26: {  	[smem:$0x3F96] =	sst s1;
	(tag) =	ssettag s2;
	_ =	strace s9  }
0x27: {  	s1 =	sld [smem:$0x3FA6]  }
0x28: {  	s2 =	sld [smem:$0x3FA7]  }
0x29: {  	s4 =	sld [smem:$0x3FA9]  }
0x2a: {  	p0 =	seq.s32 s5, $0x0;
	s5 =	sld [smem:$0x3FAA]  }
0x2b: {  	s6 =	sld [smem:$0x3FAB]  }
0x2c: {  	s7 =	sld [smem:$0x3FAC]  }
0x2d: {  	s3 =	simm.s32 $0x108;
	s8 =	sld [smem:$0x3FAD]  }
0x2e: {  	s3 =	simm.s32 @!p0 $0x1082;
	s9 =	sld [smem:$0x3FAE]  }
0x2f: {  	lr =	sadd.s32 s0, s3;
	s0 =	sld [smem:$0x3FA5]  }
0x30: {  	s3 =	sld [smem:$0x3FA8]  }
0x31: {  	[smem:$0x3FB1] =	sst s10  }
0x32: {  	s10 =	sld [smem:$0x3FAF];
	_ =	sdelay $0x3  }
0x33: {  	p0 =	seq.s32 s10, $0x1;
	s10 =	sld [smem:$0x3FB1];
	_ =	sdelay $0x3  }
0x34: {  	[smem:$0x3FB1] =	sst s10  }
0x35: {  	s10 =	sld [smem:$0x3FB0];
	_ =	sdelay $0x3  }
0x36: {  	p1 =	seq.s32 s10, $0x1;
	s10 =	sld [smem:$0x3FB1];
	_ =	sdelay $0x3  }
0x37: {  	[smem:$0x3FB1] =	sst s10  }
0x38: {  	s10 =	sld [smem:$0x3FB2]  }
0x39: {  	_ = 	snop;
	(pc) =	sbr.ind lr, $3  }
0x3a: {  	_ = 	snop  }
0x3b: {  	_ = 	snop  }
0x3c: {  	p2 =	seq.s32 s10, $0x1;
	s10 =	sld [smem:$0x3FB1]  }
0x3d: {  	_ =	shalt  }
0x3e: {  	_ =	shalt  }
0x3f: {  	_ =	shalt  }
0x40: {  	_ =	shalt  }
0x41: {  	_ =	shalt  }
0x42: {  	_ =	shalt  }
0x43: {  	_ =	shalt  }
0x44: {  	_ =	shalt  }
0x45: {  	_ =	shalt  }
0x46: {  	_ =	shalt  }
0x47: {  	_ =	shalt  }
0x48: {  	_ =	shalt  }
0x49: {  	_ =	shalt  }
0x4a: {  	_ =	shalt  }
0x4b: {  	_ =	shalt  }
0x4c: {  	_ =	shalt  }
0x4d: {  	_ =	shalt  }
0x4e: {  	_ =	shalt  }
0x4f: {  	_ =	shalt  }
0x50: {  	_ =	shalt  }
0x51: {  	_ =	shalt  }
0x52: {  	_ =	shalt  }
0x53: {  	_ =	shalt  }
0x54: {  	_ =	shalt  }
0x55: {  	_ =	shalt  }
0x56: {  	_ =	shalt  }
0x57: {  	_ =	shalt  }
0x58: {  	_ =	shalt  }
0x59: {  	_ =	shalt  }
0x5a: {  	_ =	shalt  }
0x5b: {  	_ =	shalt  }
0x5c: {  	_ =	shalt  }
0x5d: {  	_ =	shalt  }
0x5e: {  	_ =	shalt  }
0x5f: {  	_ =	shalt  }
0x60: {  	_ =	shalt  }
0x61: {  	_ =	shalt  }
0x62: {  	_ =	shalt  }
0x63: {  	_ =	shalt  }
0x64: {  	_ =	shalt  }
0x65: {  	_ =	shalt  }
0x66: {  	_ =	shalt  }
0x67: {  	_ =	shalt  }
0x68: {  	_ =	shalt  }
0x69: {  	_ =	shalt  }
0x6a: {  	_ =	shalt  }
0x6b: {  	_ =	shalt  }
0x6c: {  	_ =	shalt  }
0x6d: {  	_ =	shalt  }
0x6e: {  	_ =	shalt  }
0x6f: {  	_ =	shalt  }
0x70: {  	_ =	shalt  }
0x71: {  	_ =	shalt  }
0x72: {  	_ =	shalt  }
0x73: {  	_ =	shalt  }
0x74: {  	_ =	shalt  }
0x75: {  	_ =	shalt  }
0x76: {  	_ =	shalt  }
0x77: {  	_ =	shalt  }
0x78: {  	_ =	shalt  }
0x79: {  	_ =	shalt  }
0x7a: {  	_ =	shalt  }
0x7b: {  	_ =	shalt  }
0x7c: {  	_ =	shalt  }
0x7d: {  	_ =	shalt  }
0x7e: {  	_ =	shalt  }
0x7f: {  	_ =	shalt  }
0x80: {  	_ =	shalt  }
0x81: {  	_ =	shalt  }
0x82: {  	_ =	shalt  }
0x83: {  	_ =	shalt  }
0x84: {  	_ =	shalt  }
0x85: {  	_ =	shalt  }
0x86: {  	_ =	shalt  }
0x87: {  	_ =	shalt  }
.Lfunc_end0:
.L_simem_size_0:
called_computation_lowered:
.L_overlay_start_0:
0x88: {  	s2 =	sld [smem:$0x3FD9]  }
0x89: {  	s3 =	sld [smem:$0x3FFE];
	_ =	sdelay $0x1  }
0x8a: {  	s1 =	srdreg.scid  }
0x8b: {  	s0 =	sand.u32 $0x1, s1  }
0x8c: {  	s16 =	sshll.u32 s0, $0xA;
	s2 =	sadd.s32 s3, s2  }
0x8d: {  	s2 =	sadd.s32 s2, s16  }
0x8e: {  	[smem:$0x3FBD] =	sst s2  }
0x8f: {  	_ = 	snop  }
0x90: {  	(tm) =	ssettm $0x1  }
0x91: {  	s17 =	sld [smem:$0x3FFB];
	_ =	sdelay $0x3  }
0x92: {  	_ =	strace s17  }
0x93: {  	s2 =	sld [smem:$0x3FFC];
	_ =	sdelay $0x3  }
0x94: {  	_ =	strace s2  }
0x95: {  	s2 =	sld [smem:$0x3FFD];
	_ =	sdelay $0x3  }
0x96: {  	_ =	strace s2  }
0x97: {  	_ =	strace $0x8FFFFFFF  }
0x98: {  	s18 =	sld [smem:$0x3FDB];
	_ =	sdelay $0x1  }
0x99: {  	s19 =	simm.s32 $_scs_section_size  }
0x9a: {  	s4 =	simm.s32 $_size__tile_overlayer_lowered;
	s5 =	simm.s32 $_tile_overlayer_lowered  }
0x9b: {  	s22 =	simm.s32 $0x1BFF;
	s21 =	sshll.u32 s5, $0x1;
	s2 =	sadd.s32 s19, s18  }
0x9c: {  	s6 =	simm.s32 $0x0;
	s20 =	sshll.u32 s4, $0x1;
	s4 =	sadd.s32 s21, s2  }
0x9d: {  	[timem:s6], [sflag:s22] =	dma.local [hbm:s4], s20  }
0x9e: {  	_ =	swait.ge [sflag:s22], s20  }
0x9f: {  	s3 =	ssub.s32 $0x0, s20;
	[sflag:s22] =	ssyncset.done $0x0  }
0xa0: {  	[sflag:s22] =	ssyncadd.s32 s3;
	_ =	sdelay $0x1  }
0xa1: {  	s23 =	simm.s32 $0x1B8B  }
0xa2: {  	_ =	swait.ge [sflag:s23], $0x1  }
0xa3: {  	[sflag:s23] =	ssyncset.done $0x0  }
0xa4: {  	s25 =	simm.s32 $0x1B8E;
	s24 =	sld [smem:$0x3FFE];
	[sflag:s23] =	ssyncadd.s32 $0xFFFFFFFF  }
0xa5: {  	s26 =	simm.s32 $execute0_lowered;
	[smem:$0x3FD2] =	sst s25  }
0xa6: {  	s4 =	sshll.u32 s26, $0x1;
	_ =	strace $0x80000049;
	[dreg:$0x1] =	wrdreg $0xFFFFFFFF  }
0xa7: {  	s28 =	simm.s32 $_size_execute0_lowered;
	s2 =	sadd.s32 s2, s4;
	[dreg:$0x0] =	wrdreg $0x0  }
0xa8: {  	s4 =	sshll.u32 s28, $0x1;
	[dreg:$0x2] =	wrdreg s2  }
0xa9: {  	[dreg:$0x3] =	wrdreg s4  }
0xaa: {  	[dreg:$0x4] =	wrdreg $0xC0  }
0xab: {  	_ =	task [dreg:s6], $0x5FFFF  }
0xac: {  	[dreg:$0x1] =	wrdreg $0xFFFFFFFF  }
0xad: {  	[dreg:$0x0] =	wrdreg $0x60  }
0xae: {  	[dreg:$0x2] =	wrdreg s24  }
0xaf: {  	[dreg:$0x3] =	wrdreg $0xB2A00  }
0xb0: {  	[dreg:$0x4] =	wrdreg $0x9  }
0xb1: {  	_ =	task.clear_ibuf [dreg:s6], $0x5FFFF;
	_ =	strace $0x90000049  }
0xb2: {  	s29 =	simm.s32 $0x9;
	_ =	strace $0x8000004B  }
0xb3: {  	_ =	swait.ge [sflag:s29], $0x1  }
0xb4: {  	[sflag:s29] =	ssyncadd.s32 $0xFFFFFFFF  }
0xb5: {  	_ =	strace $0x9000004B  }
0xb6: {  	_ =	sfence  }
0xb7: {  	s30 =	sld [smem:$0x0];
	_ =	sdelay $0x2  }
0xb8: {  	s31 =	sshll.u32 s1, $0xD;
	s1 =	sshrl.u32 s1, $0x2  }
0xb9: {  	s3 =	sand.u32 $0x4000, s31;
	s1 =	sadd.s32 s1, s30  }
0xba: {  	s0 =	sor.u32 s3, s0;
	s1 =	sshll.u32 s1, $0x11  }
0xbb: {  	s0 =	sor.u32 s1, s0  }
0xbc: {  	s0 =	sadd.s32 $0x8F2B, s0  }
0xbd: {  	[sflag:s0] =	ssyncadd.remote.s32 $0x1  }
0xbe: {  	_ =	sfence.sel $0xFFFF  }
0xbf: {  	[dreg:$0x0] =	wrdreg $0xFFFFFFFF;
	(pc) =	sbr.abs _section_cstart, $3  }
0xc0: {  	[dreg:$0x1] =	wrdreg $0xFFFFFFFF  }
0xc1: {  	_ =	task.clear_ibuf [dreg:s6], $0x2FFFF;
	_ =	strace $0x9FFFFFFF  }
0xc2: {  	(tm) =	ssettm $0x7FFFFFFF  }
0xc3: {  	_ =	shalt  }
tec
execute0_lowered:
.L_overlay_start_1:
0x0: {  	(tag) =	ssettag $0x1  }
0x1: {  	s1 =	srdreg.scid;
	s5 =	rddreg [dreg:$0x0]  }
0x2: {  	s0 =	stileid.u32;
	s2 =	rddreg [dreg:$0x1]  }
0x3: {  	s3 =	simm.s32 $0x0;
	s11 =	simm.s32 $0x14A0;
	s12 =	simm.s32 $0x2  }
0x4: {  	s13 =	simm.s32 $0x50;
	s14 =	simm.s32 $0xA0;
	s4 =	smul.u32 $0x4E20, s0  }
0x5: {  	s15 =	simm.s32 $0x1;
	s18 =	simm.s32 $0x0;
	s8 =	smul.u32 $0x278, s0  }
0x6: {  	s6 =	sand.u32 $0x1, s1;
	s1 =	rddreg [dreg:$0x2];
	s28 =	smul.u32 $0x27800, s0  }
0x7: {  	[smem:$0x7FF] =	sst s3;
	s16 =	sshll.u32 s0, $0x6;
	s7 =	smul.u32 $0x2710, s6  }
0x8: {  	s9 =	smul.u32 $0x2780, s6;
	_ =	strace $0x8000004A;
	s6 =	ssub.s32 $0x2, s6  }
0x9: {  	s16 =	sor.u32 $0x1C02, s16;
	s30 =	sshrl.u32 s6, $0x1;
	s31 =	sshrl.u32 s28, $0x2  }
0xa: {  	s7 =	sadd.s32 s7, s4;
	s4 =	sadd.s32 $0x33C00, s5;
	s8 =	sadd.s32 s8, s9  }
0xb: {  	s7 =	sshrl.u32 s7, $0x3;
	s29 =	sshll.u32 s8, $0x3;
	s8 =	ssub.s32 s6, s30  }
0xc: {  	s10 =	sadd.s32 s7, s5;
	s7 =	sadd.s32 s29, s5;
	s5 =	sadd.s32 s31, s2  }
0xd: {  	s8 =	smax.u32 s8, $0x1;
	s6 =	sadd.s32 $0x102C00, s7;
	s7 =	sadd.s32 $0x12A400, s7  }
0xe: {  	v0 =	vimm.f32 $0.0e+00;
	s9 =	sadd.s32 $0x2A00, s10;
	s10 =	sadd.s32 $0xF8E00, s10;
	s17 =	sshrl.u32 s5, $0x3  }
.LBB2_1:
0xf: {  	s19 =	sand.u32 $0x3FF00, s3  }
0x10: {  	s20 =	sand.u32 $0x30, s3;
	s21 =	sshrl.u32 s19, $0x2  }
0x11: {  	s19 =	simm.s32 $0x40;
	s21 =	sor.u32 s20, s21;
	s20 =	simm.s32 $0x0  }
.LBB2_2:
0x12: {  	p0 =	sne.s32 s19, $0x277C0  }
0x13: {  	[tilespmem:s21+$0x14A0] =	vst v0;
	s20 =	sadd.s32 $0x10, s20;
	s21 =	smov.u32 s19;
	s19 =	sadd.s32 $0x40, s19  }
.Ltmp0:
0x14: {  	(pc) =	sbr.rel @p0 .LBB2_2-.Ltmp0, $4  }
0x15: {  	_ = 	snop  }
0x16: {  	s21 =	sand.u32 $0x3FF00, s21  }
0x17: {  	s22 =	sand.u32 $0x30, s20;
	s21 =	sshrl.u32 s21, $0x2  }
0x18: {  	s21 =	sor.u32 s22, s21  }
0x19: {  	[tilespmem:s21+$0x14A0] =	vst v0  }
0x1a: {  	[spmem:s5] =	stream.linear.scatter [tilespmem:s11], [sflag:$0x2], $0x9E00, $0x38;
	[tilespmem:$0x150A0] =	vst v63  }
0x1b: {  	_ =	swait.ge [sflag:s12], $0x9E00  }
0x1c: {  	[sflag:s12] =	ssyncset.done $0x0  }
0x1d: {  	[sflag:s12] =	ssyncadd.s32 $0xFFFF6200  }
0x1e: {  	s19 =	sadd.s32 $0x0, s10;
	[bflag:$0x0] =	sbarrier.arrive $0xFFFF  }
0x1f: {  	[tilespmem:s3], [sflag:$0x2] =	stream.linear.gather [hbm4b:s19+s3], $0x50, $0x38;
	[tilespmem:$0x150A0] =	vst v63  }
0x20: {  	_ =	swait.ge [sflag:s12], $0x50  }
0x21: {  	[sflag:s12] =	ssyncset.done $0x0  }
0x22: {  	[sflag:s12] =	ssyncadd.s32 $0xFFFFFFB0  }
0x23: {  	v1 =	vld [tilespmem:$0x40]  }
0x24: {  	v2 =	vld [tilespmem:$0x20]  }
0x25: {  	v3 =	vld [tilespmem:$0x30]  }
0x26: {  	v4 =	vld [tilespmem:$0x10]  }
0x27: {  	v5 =	vld [tilespmem:$0x0]  }
0x28: {  	v1 =	vshll.u32 v1, $0x1  }
0x29: {  	v2 =	vshll.u32 v2, $0x1;
	[tilespmem:$0x40] =	vst v1  }
0x2a: {  	[tilespmem:$0x20] =	vst v2;
	v1 =	vshll.u32 v3, $0x1  }
0x2b: {  	v2 =	vshll.u32 v4, $0x1;
	[tilespmem:$0x30] =	vst v1  }
0x2c: {  	v1 =	vshll.u32 v5, $0x1;
	[tilespmem:$0x10] =	vst v2  }
0x2d: {  	[tilespmem:$0x0] =	vst v1  }
0x2e: {  	[tilespmem:s14], [sflag:$0x1] =	stream.indirect.gather [hbm4b:s4+s13], $0x40, s3, s13, $0xb8;
	[tilespmem:$0x150A0] =	vst v63  }
0x2f: {  	_ =	swait.ge [sflag:s15], $0x1400  }
0x30: {  	[sflag:s15] =	ssyncset.done $0x0  }
0x31: {  	s31 =	sadd.s32 $0x0, s9;
	[sflag:s15] =	ssyncadd.s32 $0xFFFFEC00  }
0x32: {  	[tilespmem:s13], [sflag:$0x2] =	stream.linear.gather [hbm4b:s31+s3], $0x50, $0x38;
	[tilespmem:$0x150A0] =	vst v63  }
0x33: {  	_ =	swait.ge [sflag:s12], $0x50  }
0x34: {  	s19 =	simm.s32 $0xA;
	[sflag:s12] =	ssyncset.done $0x0  }
.LBB2_4:
0x35: {  	p0 =	sne.s32 s19, $0x4D8  }
0x36: {  	[sflag:s12] =	ssyncadd.s32 $0xFFFFFFB0;
	s20 =	smov.u32 s19;
	s19 =	sadd.s32 $0xA, s19  }
0x37: {  	[spmem:s2] =	stream.indirect.scatter.add.f32 [tilespmem:s14], [sflag:$0x2], $0x40, s13, s13, $0xb8;
	[tilespmem:$0x150A0] =	vst v63  }
0x38: {  	_ =	swait.ge [sflag:s12], $0x1400  }
0x39: {  	[sflag:s12] =	ssyncset.done $0x0  }
0x3a: {  	s21 =	sadd.s32 s20, s10;
	[sflag:s12] =	ssyncadd.s32 $0xFFFFEC00  }
0x3b: {  	[tilespmem:s3], [sflag:$0x2] =	stream.linear.gather [hbm4b:s21+s3], $0x50, $0x38;
	[tilespmem:$0x150A0] =	vst v63  }
0x3c: {  	_ =	swait.ge [sflag:s12], $0x50  }
0x3d: {  	[sflag:s12] =	ssyncset.done $0x0  }
0x3e: {  	[sflag:s12] =	ssyncadd.s32 $0xFFFFFFB0  }
0x3f: {  	v1 =	vld [tilespmem:$0x40]  }
0x40: {  	v2 =	vld [tilespmem:$0x20]  }
0x41: {  	v3 =	vld [tilespmem:$0x30]  }
0x42: {  	v4 =	vld [tilespmem:$0x10]  }
0x43: {  	v5 =	vld [tilespmem:$0x0]  }
0x44: {  	v1 =	vshll.u32 v1, $0x1  }
0x45: {  	v2 =	vshll.u32 v2, $0x1;
	[tilespmem:$0x40] =	vst v1  }
0x46: {  	[tilespmem:$0x20] =	vst v2;
	v1 =	vshll.u32 v3, $0x1  }
0x47: {  	v2 =	vshll.u32 v4, $0x1;
	[tilespmem:$0x30] =	vst v1  }
0x48: {  	v1 =	vshll.u32 v5, $0x1;
	[tilespmem:$0x10] =	vst v2  }
0x49: {  	[tilespmem:$0x0] =	vst v1  }
0x4a: {  	[tilespmem:s14], [sflag:$0x1] =	stream.indirect.gather [hbm4b:s4+s13], $0x40, s3, s13, $0xb8;
	[tilespmem:$0x150A0] =	vst v63  }
0x4b: {  	_ =	swait.ge [sflag:s15], $0x1400  }
.Ltmp1:
0x4c: {  	[sflag:s15] =	ssyncset.done $0x0;
	(pc) =	sbr.rel @p0 .LBB2_4-.Ltmp1, $4  }
0x4d: {  	s20 =	sadd.s32 s20, s9;
	[sflag:s15] =	ssyncadd.s32 $0xFFFFEC00  }
0x4e: {  	[tilespmem:s13], [sflag:$0x2] =	stream.linear.gather [hbm4b:s20+s3], $0x50, $0x38;
	[tilespmem:$0x150A0] =	vst v63  }
0x4f: {  	_ =	swait.ge [sflag:s12], $0x50  }
0x50: {  	[sflag:s12] =	ssyncset.done $0x0  }
0x51: {  	[sflag:s12] =	ssyncadd.s32 $0xFFFFFFB0  }
0x52: {  	[spmem:s2] =	stream.indirect.scatter.add.f32 [tilespmem:s14], [sflag:$0x2], $0x40, s13, s13, $0xb8;
	[tilespmem:$0x150A0] =	vst v63  }
0x53: {  	_ =	swait.ge [sflag:s12], $0x1400  }
0x54: {  	[sflag:s12] =	ssyncset.done $0x0  }
0x55: {  	[sflag:s12] =	ssyncadd.s32 $0xFFFFEC00  }
0x56: {  	[bflag:$0x0] =	sbarrier.arrive $0xFFFF  }
0x57: {  	[hbm:s6], [sflag:s16] =	dma.local [spmem:s17], $0x13C0  }
0x58: {  	_ =	swait.ge [sflag:s12], $0x13C0  }
0x59: {  	[sflag:s12] =	ssyncset.done $0x0  }
0x5a: {  	[sflag:s12] =	ssyncadd.s32 $0xFFFFEC40  }
0x5b: {  	[bflag:$0x0] =	sbarrier.arrive $0xFFFF  }
0x5c: {  	[spmem:s5] =	stream.linear.scatter [tilespmem:s11], [sflag:$0x2], $0x9E00, $0x38;
	[tilespmem:$0x150A0] =	vst v63  }
0x5d: {  	_ =	swait.ge [sflag:s12], $0x9E00  }
0x5e: {  	[sflag:s12] =	ssyncset.done $0x0  }
0x5f: {  	[sflag:s12] =	ssyncadd.s32 $0xFFFF6200  }
0x60: {  	s19 =	sadd.s32 $0x0, s10;
	[bflag:$0x0] =	sbarrier.arrive $0xFFFF  }
0x61: {  	[tilespmem:s3], [sflag:$0x2] =	stream.linear.gather [hbm4b:s19+s3], $0x50, $0x38;
	[tilespmem:$0x150A0] =	vst v63  }
0x62: {  	_ =	swait.ge [sflag:s12], $0x50  }
0x63: {  	[sflag:s12] =	ssyncset.done $0x0  }
0x64: {  	[sflag:s12] =	ssyncadd.s32 $0xFFFFFFB0  }
0x65: {  	v1 =	vld [tilespmem:$0x40]  }
0x66: {  	v2 =	vld [tilespmem:$0x30]  }
0x67: {  	v3 =	vld [tilespmem:$0x20]  }
0x68: {  	v4 =	vld [tilespmem:$0x10]  }
0x69: {  	v5 =	vld [tilespmem:$0x0]  }
0x6a: {  	v1 =	vshll.u32 v1, $0x1  }
0x6b: {  	v2 =	vshll.u32 v2, $0x1;
	v1 =	vor.u32 $0x1, v1  }
0x6c: {  	v3 =	vshll.u32 v3, $0x1;
	v2 =	vor.u32 $0x1, v2;
	[tilespmem:$0x40] =	vst v1  }
0x6d: {  	v3 =	vor.u32 $0x1, v3;
	v1 =	vshll.u32 v4, $0x1;
	[tilespmem:$0x30] =	vst v2  }
0x6e: {  	v2 =	vshll.u32 v5, $0x1;
	[tilespmem:$0x20] =	vst v3;
	v1 =	vor.u32 $0x1, v1  }
0x6f: {  	v2 =	vor.u32 $0x1, v2;
	[tilespmem:$0x10] =	vst v1  }
0x70: {  	[tilespmem:$0x0] =	vst v2  }
0x71: {  	[tilespmem:s14], [sflag:$0x1] =	stream.indirect.gather [hbm4b:s4+s13], $0x40, s3, s13, $0xb8;
	[tilespmem:$0x150A0] =	vst v63  }
0x72: {  	_ =	swait.ge [sflag:s15], $0x1400  }
0x73: {  	[sflag:s15] =	ssyncset.done $0x0  }
0x74: {  	s31 =	sadd.s32 $0x0, s9;
	[sflag:s15] =	ssyncadd.s32 $0xFFFFEC00  }
0x75: {  	[tilespmem:s13], [sflag:$0x2] =	stream.linear.gather [hbm4b:s31+s3], $0x50, $0x38;
	[tilespmem:$0x150A0] =	vst v63  }
0x76: {  	_ =	swait.ge [sflag:s12], $0x50  }
0x77: {  	s19 =	simm.s32 $0xA;
	[sflag:s12] =	ssyncset.done $0x0  }
.LBB2_6:
0x78: {  	p0 =	sne.s32 s19, $0x4D8  }
0x79: {  	[sflag:s12] =	ssyncadd.s32 $0xFFFFFFB0;
	s20 =	smov.u32 s19;
	s19 =	sadd.s32 $0xA, s19  }
0x7a: {  	[spmem:s2] =	stream.indirect.scatter.add.f32 [tilespmem:s14], [sflag:$0x2], $0x40, s13, s13, $0xb8;
	[tilespmem:$0x150A0] =	vst v63  }
0x7b: {  	_ =	swait.ge [sflag:s12], $0x1400  }
0x7c: {  	[sflag:s12] =	ssyncset.done $0x0  }
0x7d: {  	s21 =	sadd.s32 s20, s10;
	[sflag:s12] =	ssyncadd.s32 $0xFFFFEC00  }
0x7e: {  	[tilespmem:s3], [sflag:$0x2] =	stream.linear.gather [hbm4b:s21+s3], $0x50, $0x38;
	[tilespmem:$0x150A0] =	vst v63  }
0x7f: {  	_ =	swait.ge [sflag:s12], $0x50  }
0x80: {  	[sflag:s12] =	ssyncset.done $0x0  }
0x81: {  	[sflag:s12] =	ssyncadd.s32 $0xFFFFFFB0  }
0x82: {  	v1 =	vld [tilespmem:$0x40]  }
0x83: {  	v2 =	vld [tilespmem:$0x30]  }
0x84: {  	v3 =	vld [tilespmem:$0x20]  }
0x85: {  	v4 =	vld [tilespmem:$0x10]  }
0x86: {  	v5 =	vld [tilespmem:$0x0]  }
0x87: {  	v1 =	vshll.u32 v1, $0x1  }
0x88: {  	v2 =	vshll.u32 v2, $0x1;
	v1 =	vor.u32 $0x1, v1  }
0x89: {  	v3 =	vshll.u32 v3, $0x1;
	v2 =	vor.u32 $0x1, v2;
	[tilespmem:$0x40] =	vst v1  }
0x8a: {  	v1 =	vshll.u32 v4, $0x1;
	v3 =	vor.u32 $0x1, v3;
	[tilespmem:$0x30] =	vst v2  }
0x8b: {  	v2 =	vshll.u32 v5, $0x1;
	v1 =	vor.u32 $0x1, v1;
	[tilespmem:$0x20] =	vst v3  }
0x8c: {  	v2 =	vor.u32 $0x1, v2;
	[tilespmem:$0x10] =	vst v1  }
0x8d: {  	[tilespmem:$0x0] =	vst v2  }
0x8e: {  	[tilespmem:s14], [sflag:$0x1] =	stream.indirect.gather [hbm4b:s4+s13], $0x40, s3, s13, $0xb8;
	[tilespmem:$0x150A0] =	vst v63  }
0x8f: {  	_ =	swait.ge [sflag:s15], $0x1400  }
.Ltmp2:
0x90: {  	[sflag:s15] =	ssyncset.done $0x0;
	(pc) =	sbr.rel @p0 .LBB2_6-.Ltmp2, $4  }
0x91: {  	s20 =	sadd.s32 s20, s9;
	[sflag:s15] =	ssyncadd.s32 $0xFFFFEC00  }
0x92: {  	[tilespmem:s13], [sflag:$0x2] =	stream.linear.gather [hbm4b:s20+s3], $0x50, $0x38;
	[tilespmem:$0x150A0] =	vst v63  }
0x93: {  	_ =	swait.ge [sflag:s12], $0x50  }
0x94: {  	[sflag:s12] =	ssyncset.done $0x0  }
0x95: {  	[sflag:s12] =	ssyncadd.s32 $0xFFFFFFB0  }
0x96: {  	[spmem:s2] =	stream.indirect.scatter.add.f32 [tilespmem:s14], [sflag:$0x2], $0x40, s13, s13, $0xb8;
	[tilespmem:$0x150A0] =	vst v63  }
0x97: {  	_ =	swait.ge [sflag:s12], $0x1400  }
0x98: {  	[sflag:s12] =	ssyncset.done $0x0  }
0x99: {  	s18 =	sadd.s32 $0x1, s18;
	[sflag:s12] =	ssyncadd.s32 $0xFFFFEC00  }
0x9a: {  	p0 =	sne.s32 s18, s8;
	[bflag:$0x0] =	sbarrier.arrive $0xFFFF  }
0x9b: {  	[hbm:s7], [sflag:s16] =	dma.local [spmem:s17], $0x13C0  }
.Ltmp3:
0x9c: {  	_ =	swait.ge [sflag:s12], $0x13C0;
	(pc) =	sbr.rel @p0 .LBB2_1-.Ltmp3, $3  }
0x9d: {  	[sflag:s12] =	ssyncset.done $0x0  }
0x9e: {  	[sflag:s12] =	ssyncadd.s32 $0xFFFFEC40  }
0x9f: {  	[bflag:$0x0] =	sbarrier.arrive $0xFFFF;
	_ =	sdelay $0x1  }
0xa0: {  	_ =	sfence.sel $0x180000  }
0xa1: {  	[bflag:$0x0] =	sbarrier.arrive $0xFFFF  }
0xa2: {  	p0 =	sne.s32 s0, $0x0;
	_ =	strace $0x9000004A  }
0xa3: {  	s0 =	sadd.s32 @!p0 $0x100000, s1;
	[bflag:$0x2] =	sbarrier.arrive $0xFFFF  }
0xa4: {  	[sflag:s0] =	ssyncadd.tile.s32 @!p0 $0x1;
	_ =	shalt  }
.Lfunc_end2:
_tile_overlayer_lowered:
.L_overlay_start_2:
0xa5: {  	(tag) =	ssettag $0x2  }
0xa6: {  	s0 =	rddreg [dreg:$0x0];
	s2 =	stileid.u32  }
0xa7: {  	s1 =	rddreg [dreg:$0x1];
	p0 =	sne.s32 s2, $0x0  }
0xa8: {  	s3 =	rddreg [dreg:$0x2];
	[bflag:$0x3] =	sbarrier.arrive $0xFFFF;
	s2 =	simm.s32 @!p0 $0x1C02  }
0xa9: {  	[timem:s3], [sflag:s2] =	dma.local @!p0 [hbm:s0], s1  }
0xaa: {  	s0 =	simm.s32 @!p0 $0x2  }
0xab: {  	_ =	swait.ge @!p0 [sflag:s0], s1  }
0xac: {  	s1 =	ssub.s32 @!p0 $0x0, s1;
	[sflag:s0] =	ssyncset.done @!p0 $0x0  }
0xad: {  	[sflag:s0] =	ssyncadd.s32 @!p0 s1  }
0xae: {  	[bflag:$0x3] =	sbarrier.arrive $0xFFFF  }
0xaf: {  	_ =	shalt  }

// kernel: kernel.5.cloned.1.call-start
scs
__scs_entry_jumppad:
0x0: {  	(pc) =	sbr.rel $0x88, $3  }
0x1: {  	(tag) =	ssettag $0x0;
	lr =	simm.s32 $0x1  }
0x2: {  	[smem:$0x3F96] =	sst lr;
	_ =	strace $0xD0000000  }
0x3: {  	_ = 	snop  }
0x4: {  	_ = 	snop  }
0x5: {  	_ = 	snop  }
0x6: {  	_ = 	snop  }
0x7: {  	_ = 	snop  }
__scs_overlays_trampoline_lowered:
0x8: {  	[smem:$0x3FA5] =	sst s0  }
0x9: {  	[smem:$0x3FA6] =	sst s1  }
0xa: {  	[smem:$0x3FA7] =	sst s2  }
0xb: {  	[smem:$0x3FA8] =	sst s3  }
0xc: {  	[smem:$0x3FA9] =	sst s4  }
0xd: {  	[smem:$0x3FAA] =	sst s5  }
0xe: {  	[smem:$0x3FAB] =	sst s6  }
0xf: {  	[smem:$0x3FAC] =	sst s7  }
0x10: {  	[smem:$0x3FAD] =	sst s8  }
0x11: {  	[smem:$0x3FAE] =	sst s9;
	s0 =	simm.s32 @!p0 $0x0  }
0x12: {  	s1 =	sld [smem:$0x3F94];
	s0 =	simm.s32 @p0 $0x1  }
0x13: {  	[smem:$0x3FAF] =	sst s0;
	s0 =	simm.s32 @!p1 $0x0  }
0x14: {  	s2 =	sld [smem:$0x3F93];
	s0 =	simm.s32 @p1 $0x1  }
0x15: {  	[smem:$0x3FB0] =	sst s0;
	s0 =	simm.s32 @!p2 $0x0  }
0x16: {  	s3 =	sld [smem:$0x3FDB];
	s0 =	simm.s32 @p2 $0x1  }
0x17: {  	s4 =	simm.s32 $0x1BF5;
	[smem:$0x3FB2] =	sst s0  }
0x18: {  	s0 =	sld [smem:$0x3F95];
	_ =	swait.ge [sflag:s4], $0x0  }
0x19: {  	s7 =	sld [smem:$0x3F96]  }
0x1a: {  	s8 =	sadd.s32 $0xFFFFE003, lr  }
0x1b: {  	s9 =	sadd.s32 $0xFFFFFEF7, lr;
	s5 =	simm.s32 $0xFFFFFFFF;
	p2 =	slt.u32 s8, $0xFFFFF086  }
0x1c: {  	p1 =	slt.u32 s9, $0xF7A;
	s5 =	simm.s32 @!p2 $0x0  }
0x1d: {  	s5 =	simm.s32 @p1 $0x1;
	p0 =	seq.s32 s7, s2  }
0x1e: {  	s7 =	smul.u32 @!p0 $0xF7A, s2;
	p2 =	seq.s32 @!p0 s5, $0x0  }
0x1f: {  	s9 =	smul.u32 $0xF7A, s1;
	s8 =	simm.s32 @!p0 $0x1BF5;
	p2 =	por !p2, p0  }
0x20: {  	[sflag:s8] =	ssyncset.s32 @!p0 $0xFFFFF086;
	s6 =	sadd.s32 @!p0 s3, s7;
	s7 =	simm.s32 @!p0 $0x108  }
0x21: {  	s3 =	sadd.s32 s3, s9;
	s6 =	sadd.s32 @!p0 $0x88, s6;
	s7 =	simm.s32 @p2 $0x1082  }
0x22: {  	[simem:s7], [sflag:s8] =	dma.local @!p0 [hbm:s6], $0xF7A  }
0x23: {  	s9 =	sor.u32 $0xD0000000, s2;
	s6 =	simm.s32 $0x108;
	_ =	swait.ge @!p0 [sflag:s8], $0x0  }
0x24: {  	s3 =	sadd.s32 $0x88, s3;
	s6 =	simm.s32 @!p1 $0x1082;
	[sflag:s4] =	ssyncset.s32 $0xFFFFF086  }
0x25: {  	[simem:s6], [sflag:s4] =	dma.local [hbm:s3], $0xF7A  }
0x26: {  	[smem:$0x3F96] =	sst s1;
	(tag) =	ssettag s2;
	_ =	strace s9  }
0x27: {  	s1 =	sld [smem:$0x3FA6]  }
0x28: {  	s2 =	sld [smem:$0x3FA7]  }
0x29: {  	s4 =	sld [smem:$0x3FA9]  }
0x2a: {  	p0 =	seq.s32 s5, $0x0;
	s5 =	sld [smem:$0x3FAA]  }
0x2b: {  	s6 =	sld [smem:$0x3FAB]  }
0x2c: {  	s7 =	sld [smem:$0x3FAC]  }
0x2d: {  	s3 =	simm.s32 $0x108;
	s8 =	sld [smem:$0x3FAD]  }
0x2e: {  	s3 =	simm.s32 @!p0 $0x1082;
	s9 =	sld [smem:$0x3FAE]  }
0x2f: {  	lr =	sadd.s32 s0, s3;
	s0 =	sld [smem:$0x3FA5]  }
0x30: {  	s3 =	sld [smem:$0x3FA8]  }
0x31: {  	[smem:$0x3FB1] =	sst s10  }
0x32: {  	s10 =	sld [smem:$0x3FAF];
	_ =	sdelay $0x3  }
0x33: {  	p0 =	seq.s32 s10, $0x1;
	s10 =	sld [smem:$0x3FB1];
	_ =	sdelay $0x3  }
0x34: {  	[smem:$0x3FB1] =	sst s10  }
0x35: {  	s10 =	sld [smem:$0x3FB0];
	_ =	sdelay $0x3  }
0x36: {  	p1 =	seq.s32 s10, $0x1;
	s10 =	sld [smem:$0x3FB1];
	_ =	sdelay $0x3  }
0x37: {  	[smem:$0x3FB1] =	sst s10  }
0x38: {  	s10 =	sld [smem:$0x3FB2]  }
0x39: {  	_ = 	snop;
	(pc) =	sbr.ind lr, $3  }
0x3a: {  	_ = 	snop  }
0x3b: {  	_ = 	snop  }
0x3c: {  	p2 =	seq.s32 s10, $0x1;
	s10 =	sld [smem:$0x3FB1]  }
0x3d: {  	_ =	shalt  }
0x3e: {  	_ =	shalt  }
0x3f: {  	_ =	shalt  }
0x40: {  	_ =	shalt  }
0x41: {  	_ =	shalt  }
0x42: {  	_ =	shalt  }
0x43: {  	_ =	shalt  }
0x44: {  	_ =	shalt  }
0x45: {  	_ =	shalt  }
0x46: {  	_ =	shalt  }
0x47: {  	_ =	shalt  }
0x48: {  	_ =	shalt  }
0x49: {  	_ =	shalt  }
0x4a: {  	_ =	shalt  }
0x4b: {  	_ =	shalt  }
0x4c: {  	_ =	shalt  }
0x4d: {  	_ =	shalt  }
0x4e: {  	_ =	shalt  }
0x4f: {  	_ =	shalt  }
0x50: {  	_ =	shalt  }
0x51: {  	_ =	shalt  }
0x52: {  	_ =	shalt  }
0x53: {  	_ =	shalt  }
0x54: {  	_ =	shalt  }
0x55: {  	_ =	shalt  }
0x56: {  	_ =	shalt  }
0x57: {  	_ =	shalt  }
0x58: {  	_ =	shalt  }
0x59: {  	_ =	shalt  }
0x5a: {  	_ =	shalt  }
0x5b: {  	_ =	shalt  }
0x5c: {  	_ =	shalt  }
0x5d: {  	_ =	shalt  }
0x5e: {  	_ =	shalt  }
0x5f: {  	_ =	shalt  }
0x60: {  	_ =	shalt  }
0x61: {  	_ =	shalt  }
0x62: {  	_ =	shalt  }
0x63: {  	_ =	shalt  }
0x64: {  	_ =	shalt  }
0x65: {  	_ =	shalt  }
0x66: {  	_ =	shalt  }
0x67: {  	_ =	shalt  }
0x68: {  	_ =	shalt  }
0x69: {  	_ =	shalt  }
0x6a: {  	_ =	shalt  }
0x6b: {  	_ =	shalt  }
0x6c: {  	_ =	shalt  }
0x6d: {  	_ =	shalt  }
0x6e: {  	_ =	shalt  }
0x6f: {  	_ =	shalt  }
0x70: {  	_ =	shalt  }
0x71: {  	_ =	shalt  }
0x72: {  	_ =	shalt  }
0x73: {  	_ =	shalt  }
0x74: {  	_ =	shalt  }
0x75: {  	_ =	shalt  }
0x76: {  	_ =	shalt  }
0x77: {  	_ =	shalt  }
0x78: {  	_ =	shalt  }
0x79: {  	_ =	shalt  }
0x7a: {  	_ =	shalt  }
0x7b: {  	_ =	shalt  }
0x7c: {  	_ =	shalt  }
0x7d: {  	_ =	shalt  }
0x7e: {  	_ =	shalt  }
0x7f: {  	_ =	shalt  }
0x80: {  	_ =	shalt  }
0x81: {  	_ =	shalt  }
0x82: {  	_ =	shalt  }
0x83: {  	_ =	shalt  }
0x84: {  	_ =	shalt  }
0x85: {  	_ =	shalt  }
0x86: {  	_ =	shalt  }
0x87: {  	_ =	shalt  }
.Lfunc_end0:
.L_simem_size_0:
called_computation.1_lowered:
.L_overlay_start_0:
0x88: {  	s2 =	sld [smem:$0x3FD9]  }
0x89: {  	s3 =	sld [smem:$0x3FFE];
	_ =	sdelay $0x1  }
0x8a: {  	s1 =	srdreg.scid  }
0x8b: {  	s0 =	sand.u32 $0x1, s1  }
0x8c: {  	s14 =	sshll.u32 s0, $0xA;
	s2 =	sadd.s32 s3, s2  }
0x8d: {  	s2 =	sadd.s32 s2, s14  }
0x8e: {  	[smem:$0x3FBD] =	sst s2  }
0x8f: {  	_ = 	snop  }
0x90: {  	s2 =	sld [smem:$0x3FD0];
	_ =	sdelay $0x2  }
0x91: {  	s15 =	simm.s32 $0xA;
	s4 =	simm.s32 $0x10  }
0x92: {  	[smem:s4], [sflag:s15] =	dma.local [hbm:s2], $0x1  }
0x93: {  	_ =	swait.eq [sflag:s15], $0x1  }
0x94: {  	[sflag:s15] =	ssyncset.done $0x0  }
0x95: {  	[sflag:s15] =	ssyncadd.s32 $0xFFFFFFFF  }
0x96: {  	s16 =	sld [smem:$0x11];
	(tm) =	ssettm $0x1  }
0x97: {  	s17 =	sld [smem:$0x3FFB];
	_ =	sdelay $0x3  }
0x98: {  	_ =	strace s17  }
0x99: {  	s3 =	sld [smem:$0x3FFC];
	_ =	sdelay $0x3  }
0x9a: {  	_ =	strace s3  }
0x9b: {  	s3 =	sld [smem:$0x3FFD];
	_ =	sdelay $0x3  }
0x9c: {  	_ =	strace s3  }
0x9d: {  	_ =	strace $0x8FFFFFFF  }
0x9e: {  	s18 =	sld [smem:$0x3FDB];
	_ =	sdelay $0x1  }
0x9f: {  	s19 =	simm.s32 $_scs_section_size  }
0xa0: {  	s5 =	simm.s32 $_size__tile_overlayer_lowered;
	s6 =	simm.s32 $_tile_overlayer_lowered  }
0xa1: {  	s22 =	simm.s32 $0x1BFF;
	s21 =	sshll.u32 s6, $0x1;
	s3 =	sadd.s32 s19, s18  }
0xa2: {  	s7 =	simm.s32 $0x0;
	s20 =	sshll.u32 s5, $0x1;
	s5 =	sadd.s32 s21, s3  }
0xa3: {  	[timem:s7], [sflag:s22] =	dma.local [hbm:s5], s20  }
0xa4: {  	_ =	swait.ge [sflag:s22], s20  }
0xa5: {  	s4 =	ssub.s32 $0x0, s20;
	[sflag:s22] =	ssyncset.done $0x0  }
0xa6: {  	[sflag:s22] =	ssyncadd.s32 s4;
	_ =	sdelay $0x1  }
0xa7: {  	s23 =	simm.s32 $0x1B8B  }
0xa8: {  	_ =	swait.ge [sflag:s23], $0x1  }
0xa9: {  	[sflag:s23] =	ssyncset.done $0x0  }
0xaa: {  	s25 =	simm.s32 $0x1B8E;
	s24 =	sld [smem:$0x3FFE];
	[sflag:s23] =	ssyncadd.s32 $0xFFFFFFFF  }
0xab: {  	s26 =	simm.s32 $execute0_lowered;
	[smem:$0x3FD2] =	sst s25  }
0xac: {  	s5 =	sshll.u32 s26, $0x1;
	_ =	strace $0x80000046;
	[dreg:$0x1] =	wrdreg $0xFFFFFFFF  }
0xad: {  	s28 =	simm.s32 $_size_execute0_lowered;
	s3 =	sadd.s32 s3, s5;
	[dreg:$0x0] =	wrdreg $0x0  }
0xae: {  	s5 =	sshll.u32 s28, $0x1;
	[dreg:$0x2] =	wrdreg s3  }
0xaf: {  	[dreg:$0x3] =	wrdreg s5  }
0xb0: {  	[dreg:$0x4] =	wrdreg $0xC0  }
0xb1: {  	_ =	task [dreg:s7], $0x5FFFF  }
0xb2: {  	[dreg:$0x1] =	wrdreg $0xFFFFFFFF  }
0xb3: {  	[dreg:$0x0] =	wrdreg $0x60  }
0xb4: {  	[dreg:$0x2] =	wrdreg s24  }
0xb5: {  	[dreg:$0x3] =	wrdreg s16  }
0xb6: {  	[dreg:$0x4] =	wrdreg $0x2CD00  }
0xb7: {  	[dreg:$0x5] =	wrdreg $0x9  }
0xb8: {  	_ =	task.clear_ibuf [dreg:s7], $0x6FFFF;
	_ =	strace $0x90000046  }
0xb9: {  	s29 =	simm.s32 $0x9;
	_ =	strace $0x80000048  }
0xba: {  	_ =	swait.ge [sflag:s29], $0x1  }
0xbb: {  	[sflag:s29] =	ssyncadd.s32 $0xFFFFFFFF  }
0xbc: {  	_ =	strace $0x90000048  }
0xbd: {  	_ =	sfence  }
0xbe: {  	s30 =	sld [smem:$0x0];
	_ =	sdelay $0x2  }
0xbf: {  	s31 =	sshll.u32 s1, $0xD;
	s1 =	sshrl.u32 s1, $0x2  }
0xc0: {  	s3 =	sand.u32 $0x4000, s31;
	s1 =	sadd.s32 s1, s30  }
0xc1: {  	s0 =	sor.u32 s3, s0;
	s1 =	sshll.u32 s1, $0x11  }
0xc2: {  	s0 =	sor.u32 s1, s0  }
0xc3: {  	s0 =	sadd.s32 $0x8F2B, s0  }
0xc4: {  	[sflag:s0] =	ssyncadd.remote.s32 $0x1  }
0xc5: {  	_ =	sfence.sel $0xFFFF  }
0xc6: {  	[dreg:$0x0] =	wrdreg $0xFFFFFFFF;
	(pc) =	sbr.abs _section_cstart, $3  }
0xc7: {  	[dreg:$0x1] =	wrdreg $0xFFFFFFFF  }
0xc8: {  	_ =	task.clear_ibuf [dreg:s7], $0x2FFFF;
	_ =	strace $0x9FFFFFFF  }
0xc9: {  	(tm) =	ssettm $0x7FFFFFFF  }
tec
execute0_lowered:
.L_overlay_start_1:
0x0: {  	(tag) =	ssettag $0x1  }
0x1: {  	s4 =	rddreg [dreg:$0x0]  }
0x2: {  	s1 =	srdreg.scid;
	s0 =	stileid.u32  }
0x3: {  	s5 =	rddreg [dreg:$0x1];
	s7 =	smul.u32 $0x4E20, s0  }
0x4: {  	s2 =	rddreg [dreg:$0x2];
	s9 =	smul.u32 $0x4F0, s0  }
0x5: {  	s3 =	simm.s32 $0x0;
	s6 =	sand.u32 $0x1, s1;
	s30 =	smul.u32 $0x9E00, s0  }
0x6: {  	s13 =	simm.s32 $0x0;
	s1 =	rddreg [dreg:$0x3];
	s8 =	smul.u32 $0x2710, s6  }
0x7: {  	[smem:$0x7FF] =	sst s3;
	s11 =	sshll.u32 s0, $0x6;
	s10 =	smul.u32 $0x4F00, s6  }
0x8: {  	_ =	strace $0x80000047;
	s31 =	ssub.s32 $0x2, s6;
	s11 =	sor.u32 $0x1C01, s11  }
0x9: {  	s6 =	sshrl.u32 s31, $0x1;
	s7 =	sadd.s32 s8, s7;
	s8 =	sshrl.u32 s30, $0x2  }
0xa: {  	s9 =	sadd.s32 s9, s10;
	s6 =	ssub.s32 s31, s6;
	s10 =	simm.s32 $0x50  }
0xb: {  	s7 =	sshrl.u32 s7, $0x3;
	s5 =	sadd.s32 s5, s9;
	s6 =	smax.u32 s6, $0x1  }
0xc: {  	s9 =	simm.s32 $0x1;
	s7 =	sadd.s32 s7, s4;
	s4 =	sadd.s32 s8, s2  }
0xd: {  	v0 =	vimm.f32 $0.0e+00;
	v1 =	vimm.f32 $1.000000000e+00;
	s8 =	simm.s32 $0x550;
	s7 =	sadd.s32 $0x2A00, s7;
	s12 =	sshrl.u32 s4, $0x3  }
.LBB2_1:
0xe: {  	s14 =	simm.s32 $0x0  }
.LBB2_2:
0xf: {  	p0 =	sne.s32 s14, $0x9DC0  }
.Ltmp0:
0x10: {  	_ = 	snop;
	(pc) =	sbr.rel @p0 .LBB2_2-.Ltmp0, $3  }
0x11: {  	_ =	sdelay $0x1  }
0x12: {  	s15 =	sshra.s32 s14, $0x2  }
0x13: {  	s14 =	sadd.s32 $0x40, s14;
	[tilespmem:s15+$0x550] =	vst v0  }
0x14: {  	s14 =	simm.s32 $0x40;
	s15 =	simm.s32 $0x0  }
.LBB2_4:
0x15: {  	p0 =	sne.s32 s14, $0x13C0;
	[tilespmem:s15+$0x50] =	vst v1;
	s15 =	smov.u32 s14;
	s14 =	sadd.s32 $0x40, s14  }
.Ltmp1:
0x16: {  	(pc) =	sbr.rel @p0 .LBB2_4-.Ltmp1, $2  }
0x17: {  	_ =	sdelay $0x2  }
0x18: {  	s15 =	sshra.s32 s15, $0x2  }
0x19: {  	[tilespmem:s15+$0x50] =	vst v1  }
0x1a: {  	[spmem:s4] =	stream.linear.scatter [tilespmem:s8], [sflag:$0x1], $0x2780, $0x38;
	[tilespmem:$0x5450] =	vst v63  }
0x1b: {  	_ =	swait.ge [sflag:s9], $0x2780  }
0x1c: {  	[sflag:s9] =	ssyncset.done $0x0  }
0x1d: {  	[sflag:s9] =	ssyncadd.s32 $0xFFFFD880  }
0x1e: {  	s14 =	sadd.s32 $0x0, s7;
	[bflag:$0x0] =	sbarrier.arrive $0xFFFF  }
0x1f: {  	[tilespmem:s3], [sflag:$0x1] =	stream.linear.gather [hbm4b:s14+s3], $0x50, $0x38;
	[tilespmem:$0x5450] =	vst v63  }
0x20: {  	_ =	swait.ge [sflag:s9], $0x50  }
0x21: {  	[sflag:s9] =	ssyncset.done $0x0  }
0x22: {  	[sflag:s9] =	ssyncadd.s32 $0xFFFFFFB0  }
0x23: {  	[spmem:s2] =	stream.indirect.scatter.add.f32 [tilespmem:s10], [sflag:$0x1], $0x10, s3, s10, $0xb8;
	[tilespmem:$0x5450] =	vst v63  }
0x24: {  	_ =	swait.ge [sflag:s9], $0x500  }
0x25: {  	s15 =	simm.s32 $0x14;
	s14 =	simm.s32 $0xA;
	[sflag:s9] =	ssyncset.done $0x0  }
.LBB2_6:
0x26: {  	s16 =	sadd.s32 s14, s7  }
0x27: {  	[sflag:s9] =	ssyncadd.s32 $0xFFFFFB00;
	s14 =	smov.u32 s15;
	s17 =	sadd.s32 $0xA, s15  }
0x28: {  	[tilespmem:s3], [sflag:$0x1] =	stream.linear.gather [hbm4b:s16+s3], $0x50, $0x38;
	[tilespmem:$0x5450] =	vst v63  }
0x29: {  	p0 =	sne.s32 s15, $0x4D8;
	_ =	swait.ge [sflag:s9], $0x50  }
.Ltmp2:
0x2a: {  	[sflag:s9] =	ssyncset.done $0x0;
	(pc) =	sbr.rel @p0 .LBB2_6-.Ltmp2, $4  }
0x2b: {  	[sflag:s9] =	ssyncadd.s32 $0xFFFFFFB0  }
0x2c: {  	[spmem:s2] =	stream.indirect.scatter.add.f32 [tilespmem:s10], [sflag:$0x1], $0x10, s3, s10, $0xb8;
	[tilespmem:$0x5450] =	vst v63  }
0x2d: {  	_ =	swait.ge [sflag:s9], $0x500  }
0x2e: {  	s15 =	smov.u32 s17;
	[sflag:s9] =	ssyncset.done $0x0  }
0x2f: {  	s14 =	sadd.s32 s14, s7;
	[sflag:s9] =	ssyncadd.s32 $0xFFFFFB00  }
0x30: {  	[tilespmem:s3], [sflag:$0x1] =	stream.linear.gather [hbm4b:s14+s3], $0x50, $0x38;
	[tilespmem:$0x5450] =	vst v63  }
0x31: {  	_ =	swait.ge [sflag:s9], $0x50  }
0x32: {  	[sflag:s9] =	ssyncset.done $0x0  }
0x33: {  	[sflag:s9] =	ssyncadd.s32 $0xFFFFFFB0  }
0x34: {  	[spmem:s2] =	stream.indirect.scatter.add.f32 [tilespmem:s10], [sflag:$0x1], $0x10, s3, s10, $0xb8;
	[tilespmem:$0x5450] =	vst v63  }
0x35: {  	_ =	swait.ge [sflag:s9], $0x500  }
0x36: {  	s13 =	sadd.s32 $0x1, s13;
	[sflag:s9] =	ssyncset.done $0x0  }
0x37: {  	p0 =	sne.s32 s13, s6;
	[sflag:s9] =	ssyncadd.s32 $0xFFFFFB00  }
.Ltmp3:
0x38: {  	[bflag:$0x0] =	sbarrier.arrive $0xFFFF;
	(pc) =	sbr.rel @p0 .LBB2_1-.Ltmp3, $4  }
0x39: {  	[hbm:s5], [sflag:s11] =	dma.local [spmem:s12], $0x4F0  }
0x3a: {  	_ =	swait.ge [sflag:s9], $0x4F0  }
0x3b: {  	[sflag:s9] =	ssyncset.done $0x0  }
0x3c: {  	[sflag:s9] =	ssyncadd.s32 $0xFFFFFB10  }
0x3d: {  	_ =	sfence.sel $0x180000  }
0x3e: {  	[bflag:$0x0] =	sbarrier.arrive $0xFFFF  }
0x3f: {  	p0 =	sne.s32 s0, $0x0;
	_ =	strace $0x90000047  }
0x40: {  	s0 =	sadd.s32 @!p0 $0x100000, s1;
	[bflag:$0x2] =	sbarrier.arrive $0xFFFF  }
0x41: {  	[sflag:s0] =	ssyncadd.tile.s32 @!p0 $0x1;
	_ =	shalt  }
.Lfunc_end2:
_tile_overlayer_lowered:
.L_overlay_start_2:
0x42: {  	(tag) =	ssettag $0x2  }
0x43: {  	s0 =	rddreg [dreg:$0x0];
	s2 =	stileid.u32  }
0x44: {  	s1 =	rddreg [dreg:$0x1];
	p0 =	sne.s32 s2, $0x0  }
0x45: {  	s3 =	rddreg [dreg:$0x2];
	[bflag:$0x3] =	sbarrier.arrive $0xFFFF;
	s2 =	simm.s32 @!p0 $0x1C01  }
0x46: {  	[timem:s3], [sflag:s2] =	dma.local @!p0 [hbm:s0], s1  }
0x47: {  	s0 =	simm.s32 @!p0 $0x1  }
0x48: {  	_ =	swait.ge @!p0 [sflag:s0], s1  }
0x49: {  	s1 =	ssub.s32 @!p0 $0x0, s1;
	[sflag:s0] =	ssyncset.done @!p0 $0x0  }
0x4a: {  	[sflag:s0] =	ssyncadd.s32 @!p0 s1  }
0x4b: {  	[bflag:$0x3] =	sbarrier.arrive $0xFFFF  }
0x4c: {  	_ =	shalt  }

</sc_bundles>
